<compile_context>
chip_gen: v7x
topology: tpu7x:2x2x1
jax: 0.10.2.dev20260603
libtpu: 0.0.44.dev20260713+nightly
codegen_flags: <defaults>
</compile_context>

<pallas_src>
import functools

import jax
import jax.numpy as jnp
from jax import lax
from jax.experimental import pallas as pl
from jax.experimental.pallas import tpu as pltpu
from jax.experimental.pallas import tpu_sc as plsc

F = 26
VOCAB = 100000
EMB = 32
B = 1024
T = 200

BT = B * T
NC = 2
NS = 16
NW = NC * NS
ROWS_W = BT // NW
Q = 64
NCHUNK = ROWS_W // Q
NPAIR = NCHUNK // 2
SLAB = F * Q

_mesh = plsc.VectorSubcoreMesh(
    core_axis_name="c", subcore_axis_name="s", num_cores=NC, num_subcores=NS
)


@functools.partial(
    pl.kernel,
    mesh=_mesh,
    out_type=jax.ShapeDtypeStruct((BT, F * EMB), jnp.float32),
    compiler_params=pltpu.CompilerParams(use_tc_tiling_on_sc=False),
    scratch_types=[
        pltpu.VMEM((2, F, Q), jnp.int32),
        pltpu.VMEM((2 * SLAB, EMB), jnp.float32),
        pltpu.SemaphoreType.DMA,
        pltpu.SemaphoreType.DMA,
        pltpu.SemaphoreType.DMA,
    ],
)
def _gather_kernel(table_hbm, gidx_hbm, out_hbm, idx_v, stages, semg, semw0, semw1):
    wid = lax.axis_index("s") * NC + lax.axis_index("c")
    semw = (semw0, semw1)

    def one_chunk(g, parity, first):
        buf = parity * SLAB
        bt0 = wid * ROWS_W + g * Q
        pltpu.sync_copy(gidx_hbm.at[:, pl.ds(bt0, Q)], idx_v.at[parity])

        @pl.when(jnp.logical_not(first))
        def _():
            pltpu.make_async_copy(
                stages.at[pl.ds(0, SLAB)], out_hbm.at[pl.ds(0, Q)], semw[parity]
            ).wait()

        def fire_gather(f, c):
            pltpu.async_copy(
                table_hbm.at[idx_v.at[parity, f]],
                stages.at[pl.ds(buf + f * Q, Q)],
                semg,
            )
            return c

        lax.fori_loop(0, F, fire_gather, 0)
        pltpu.make_async_copy(
            table_hbm.at[pl.ds(0, SLAB)], stages.at[pl.ds(0, SLAB)], semg
        ).wait()

        def fire_write(f, c):
            pltpu.async_copy(
                stages.at[pl.ds(buf + f * Q, Q)],
                out_hbm.at[pl.ds(bt0, Q), pl.ds(f * EMB, EMB)],
                semw[parity],
            )
            return c

        lax.fori_loop(0, F, fire_write, 0)

    def pair_body(gp, carry):
        one_chunk(2 * gp, 0, gp == 0)
        one_chunk(2 * gp + 1, 1, gp == 0)
        return carry

    lax.fori_loop(0, NPAIR, pair_body, 0)
    pltpu.make_async_copy(
        stages.at[pl.ds(0, SLAB)], out_hbm.at[pl.ds(0, Q)], semw0
    ).wait()
    pltpu.make_async_copy(
        stages.at[pl.ds(0, SLAB)], out_hbm.at[pl.ds(0, Q)], semw1
    ).wait()


def kernel(tables, indices, seq_lens):
    table_flat = tables.reshape(F * VOCAB, EMB)
    offs = jnp.arange(F, dtype=jnp.int32) * VOCAB
    gidx_t = (indices + offs[None, None, :]).transpose(2, 0, 1).reshape(F, BT)
    out2 = _gather_kernel(table_flat, gidx_t)
    return out2.reshape(B, T, F * EMB)

# --- scband reference (transcript-rebuilt; emitter-appended) ---
"""Pipeline reference for scband-trx-encoder-trans-87299505258710 (READ-ONLY COPY).

The authoritative reference and input builder live on the scoring server;
editing this copy changes nothing except your own understanding.
"""

import jax, jax.numpy as jnp
import numpy as np

F = 26
VOCAB = 100000
EMB = 32
B = 1024
T = 200


def setup_inputs(seed: int = 0) -> dict:
    key = jax.random.key(seed)
    k_idx, k_len, k_tab = jax.random.split(key, 3)
    # PaddedBatch payload: one int index tensor per categorical feature, packed as [B, T, F]
    indices = jax.random.randint(k_idx, (B, T, F), 0, VOCAB, dtype=jnp.int32)
    seq_lens = jax.random.randint(k_len, (B,), 1, T + 1, dtype=jnp.int32)
    # TransEmbedding ('classic' algo): one embedding table per feature, each [vocab, out_emb_size]
    tables = jax.random.normal(k_tab, (F, VOCAB, EMB), dtype=jnp.float32) * 0.02
    return {"tables": tables, "indices": indices, "seq_lens": seq_lens}


def reference(tables, indices, seq_lens):
    # TrxEncoderTrans.forward, algo='classic', agg_type='cat', no numeric features:
    #   out = self.embeddings(x)   -> list of [B, T, EMB] per feature
    #   out = torch.cat(out, dim=2)
    #   return PaddedBatch(out, x.seq_lens)
    outs = [jnp.take(tables[f], indices[:, :, f], axis=0) for f in range(F)]
    out = jnp.concatenate(outs, axis=2)  # [B, T, F*EMB]
    return out

if __name__ == "__main__":
    import jax
    _d = setup_inputs()
    print(jax.jit(kernel)(*tuple(_d.values())))

</pallas_src>

<mosaic_0001>
#map = affine_map<(d0, d1) -> (0, 0)>
module attributes {stable_mosaic.version = 14 : i64} {
  func.func @_gather_kernel(%arg0: i32, %arg1: i32, %arg2: memref<2600000x32xf32, #tpu.memory_space<hbm>>, %arg3: memref<26x204800xi32, #tpu.memory_space<hbm>>, %arg4: memref<204800x832xf32, #tpu.memory_space<hbm>>, %arg5: memref<2x26x64xi32, #tpu.memory_space<vmem>>, %arg6: memref<3328x32xf32, #tpu.memory_space<vmem>>, %arg7: memref<!tpu.dma_semaphore, #tpu.memory_space<semaphore_mem>>, %arg8: memref<!tpu.dma_semaphore, #tpu.memory_space<semaphore_mem>>, %arg9: memref<!tpu.dma_semaphore, #tpu.memory_space<semaphore_mem>>) attributes {dimension_semantics = [#tpu.dimension_semantics<core_parallel>, #tpu.dimension_semantics<subcore_parallel>], iteration_bounds = array<i64: 2, 16>, scalar_prefetch = 0 : i64, scratch_operands = 5 : i64, tpu.core_type = #tpu.core_type<sc_vector_subcore>, window_params = [{transform_indices = #map}, {transform_indices = #map}, {transform_indices = #map}]} {
    %mul3A = arith.constant 2 : i32
    %mul3A_0 = arith.muli %arg1, %mul3A : i32
    %add3A = arith.addi %mul3A_0, %arg0 : i32
    %scan3A = arith.constant 0 : i32
    %scan3A_1 = arith.constant 0 : i32
    %scan3A_2 = arith.constant 50 : i32
    %scan3A_3 = arith.addi %scan3A_1, %scan3A_2 : i32
    %scan3A_4 = arith.constant 1 : i32
    scf.for %scan3A_29 = %scan3A_1 to %scan3A_3 step %scan3A_4  : i32 {
      %mul3A_30 = arith.constant 2 : i32
      %mul3A_31 = arith.muli %mul3A_30, %scan3A_29 : i32
      %eq3A = arith.constant 0 : i32
      %eq3A_32 = arith.cmpi eq, %scan3A_29, %eq3A : i32
      %mul3A_33 = arith.constant 6400 : i32
      %mul3A_34 = arith.muli %add3A, %mul3A_33 : i32
      %mul3A_35 = arith.constant 64 : i32
      %mul3A_36 = arith.muli %mul3A_31, %mul3A_35 : i32
      %add3A_37 = arith.addi %mul3A_34, %mul3A_36 : i32
      %run_scoped3A = arith.constant 0 : i32
      "tpu.region"() ({
        %run_scoped3A_105 = tpu.sem_alloc : memref<!tpu.dma_semaphore, #tpu.memory_space<semaphore_mem>>
        %dma_start3A = arith.constant 0 : i32
        %dma_start3A_106 = arith.constant 0 : i32
        %dma_start3A_107 = tpu.memref_slice %arg5[%run_scoped3A, %dma_start3A, %dma_start3A_106] : memref<2x26x64xi32, #tpu.memory_space<vmem>> -> memref<1x26x64xi32, #tpu.memory_space<vmem>>
        %dma_start3A_108 = tpu.memref_squeeze %dma_start3A_107 : memref<1x26x64xi32, #tpu.memory_space<vmem>> -> memref<26x64xi32, #tpu.memory_space<vmem>>
        %dma_start3A_109 = arith.constant 0 : i32
        %dma_start3A_110 = tpu.memref_slice %arg3[%dma_start3A_109, %add3A_37] : memref<26x204800xi32, #tpu.memory_space<hbm>> -> memref<26x64xi32, #tpu.memory_space<hbm>>
        %dma_start3A_111 = arith.constant 0 : i32
        %dma_start3A_112 = arith.constant 0 : i32
        %dma_start3A_113 = tpu.memref_slice %arg5[%run_scoped3A, %dma_start3A_111, %dma_start3A_112] : memref<2x26x64xi32, #tpu.memory_space<vmem>> -> memref<1x26x64xi32, #tpu.memory_space<vmem>>
        %dma_start3A_114 = tpu.memref_squeeze %dma_start3A_113 : memref<1x26x64xi32, #tpu.memory_space<vmem>> -> memref<26x64xi32, #tpu.memory_space<vmem>>
        %dma_start3A_115 = arith.constant 0 : i32
        %dma_start3A_116 = tpu.memref_slice %arg3[%dma_start3A_115, %add3A_37] : memref<26x204800xi32, #tpu.memory_space<hbm>> -> memref<26x64xi32, #tpu.memory_space<hbm>>
        tpu.enqueue_dma source(%dma_start3A_116 : memref<26x64xi32, #tpu.memory_space<hbm>>) target(%dma_start3A_114 : memref<26x64xi32, #tpu.memory_space<vmem>>) target_semaphore(%run_scoped3A_105 : memref<!tpu.dma_semaphore, #tpu.memory_space<semaphore_mem>>)
        %dma_wait3A_117 = arith.constant 0 : i32
        %dma_wait3A_118 = arith.constant 0 : i32
        %dma_wait3A_119 = tpu.memref_slice %arg5[%run_scoped3A, %dma_wait3A_117, %dma_wait3A_118] : memref<2x26x64xi32, #tpu.memory_space<vmem>> -> memref<1x26x64xi32, #tpu.memory_space<vmem>>
        %dma_wait3A_120 = tpu.memref_squeeze %dma_wait3A_119 : memref<1x26x64xi32, #tpu.memory_space<vmem>> -> memref<26x64xi32, #tpu.memory_space<vmem>>
        %dma_wait3A_121 = arith.constant 0 : i32
        %dma_wait3A_122 = tpu.memref_slice %arg3[%dma_wait3A_121, %add3A_37] : memref<26x204800xi32, #tpu.memory_space<hbm>> -> memref<26x64xi32, #tpu.memory_space<hbm>>
        %dma_wait3A_123 = arith.constant 0 : i32
        %dma_wait3A_124 = arith.constant 0 : i32
        %dma_wait3A_125 = tpu.memref_slice %arg5[%run_scoped3A, %dma_wait3A_123, %dma_wait3A_124] : memref<2x26x64xi32, #tpu.memory_space<vmem>> -> memref<1x26x64xi32, #tpu.memory_space<vmem>>
        %dma_wait3A_126 = tpu.memref_squeeze %dma_wait3A_125 : memref<1x26x64xi32, #tpu.memory_space<vmem>> -> memref<26x64xi32, #tpu.memory_space<vmem>>
        %dma_wait3A_127 = arith.constant 0 : i32
        %dma_wait3A_128 = tpu.memref_slice %arg3[%dma_wait3A_127, %add3A_37] : memref<26x204800xi32, #tpu.memory_space<hbm>> -> memref<26x64xi32, #tpu.memory_space<hbm>>
        tpu.wait_dma2 semaphore(%run_scoped3A_105 : memref<!tpu.dma_semaphore, #tpu.memory_space<semaphore_mem>>) src(%dma_wait3A_128 : memref<26x64xi32, #tpu.memory_space<hbm>>) dst(%dma_wait3A_126 : memref<26x64xi32, #tpu.memory_space<vmem>>)
        tpu.yield
      }) : () -> ()
      %not3A = arith.constant true
      %not3A_38 = arith.xori %eq3A_32, %not3A : i1
      %convert_element_type3A = arith.extui %not3A_38 : i1 to i32
      %cond3A = arith.constant 0 : i32
      %cond3A_39 = arith.cmpi ne, %convert_element_type3A, %cond3A : i32
      scf.if %cond3A_39 {
        %dma_wait3A_105 = arith.constant 0 : i32
        %dma_wait3A_106 = arith.constant 0 : i32
        %dma_wait3A_107 = tpu.memref_slice %arg6[%dma_wait3A_105, %dma_wait3A_106] : memref<3328x32xf32, #tpu.memory_space<vmem>> -> memref<1664x32xf32, #tpu.memory_space<vmem>>
        %dma_wait3A_108 = arith.constant 0 : i32
        %dma_wait3A_109 = arith.constant 0 : i32
        %dma_wait3A_110 = tpu.memref_slice %arg4[%dma_wait3A_108, %dma_wait3A_109] : memref<204800x832xf32, #tpu.memory_space<hbm>> -> memref<64x832xf32, #tpu.memory_space<hbm>>
        %dma_wait3A_111 = arith.constant 0 : i32
        %dma_wait3A_112 = arith.constant 0 : i32
        %dma_wait3A_113 = tpu.memref_slice %arg4[%dma_wait3A_111, %dma_wait3A_112] : memref<204800x832xf32, #tpu.memory_space<hbm>> -> memref<64x832xf32, #tpu.memory_space<hbm>>
        %dma_wait3A_114 = arith.constant 0 : i32
        %dma_wait3A_115 = arith.constant 0 : i32
        %dma_wait3A_116 = tpu.memref_slice %arg6[%dma_wait3A_114, %dma_wait3A_115] : memref<3328x32xf32, #tpu.memory_space<vmem>> -> memref<1664x32xf32, #tpu.memory_space<vmem>>
        tpu.wait_dma2 semaphore(%arg8 : memref<!tpu.dma_semaphore, #tpu.memory_space<semaphore_mem>>) src(%dma_wait3A_116 : memref<1664x32xf32, #tpu.memory_space<vmem>>) dst(%dma_wait3A_113 : memref<64x832xf32, #tpu.memory_space<hbm>>)
      } else {
      }
      %scan3A_40 = arith.constant 0 : i32
      %scan3A_41 = arith.constant 0 : i32
      %scan3A_42 = arith.constant 26 : i32
      %scan3A_43 = arith.addi %scan3A_41, %scan3A_42 : i32
      %scan3A_44 = arith.constant 1 : i32
      scf.for %scan3A_105 = %scan3A_41 to %scan3A_43 step %scan3A_44  : i32 {
        %mul3A_106 = arith.constant 64 : i32
        %mul3A_107 = arith.muli %scan3A_105, %mul3A_106 : i32
        %add3A_108 = arith.constant 0 : i32
        %add3A_109 = arith.addi %add3A_108, %mul3A_107 : i32
        %dma_start3A = arith.constant 0 : i32
        %dma_start3A_110 = arith.constant 0 : i32
        %dma_start3A_111 = tpu.memref_slice %arg6[%add3A_109, %dma_start3A_110] : memref<3328x32xf32, #tpu.memory_space<vmem>> -> memref<64x32xf32, #tpu.memory_space<vmem>>
        %dma_start3A_112 = arith.constant 0 : i32
        %dma_start3A_113 = tpu.memref_slice %arg5[%dma_start3A, %scan3A_105, %dma_start3A_112] : memref<2x26x64xi32, #tpu.memory_space<vmem>> -> memref<1x1x64xi32, #tpu.memory_space<vmem>>
        %dma_start3A_114 = tpu.memref_squeeze %dma_start3A_113 : memref<1x1x64xi32, #tpu.memory_space<vmem>> -> memref<64xi32, #tpu.memory_space<vmem>>
        %dma_start3A_115 = arith.constant 0 : i32
        %dma_start3A_116 = arith.constant 0 : i32
        %dma_start3A_117 = tpu.memref_slice %arg2[%dma_start3A_115, %dma_start3A_116] : memref<2600000x32xf32, #tpu.memory_space<hbm>> -> memref<2600000x32xf32, #tpu.memory_space<hbm>>
        tpu.enqueue_indirect_dma source(%dma_start3A_117 : memref<2600000x32xf32, #tpu.memory_space<hbm>>) target(%dma_start3A_111 : memref<64x32xf32, #tpu.memory_space<vmem>>) offsets(%dma_start3A_114 : memref<64xi32, #tpu.memory_space<vmem>>) semaphore(%arg7 : memref<!tpu.dma_semaphore, #tpu.memory_space<semaphore_mem>>)
      }
      %scan3A_45 = arith.constant 26 : i32
      %dma_wait3A_46 = arith.constant 0 : i32
      %dma_wait3A_47 = arith.constant 0 : i32
      %dma_wait3A_48 = tpu.memref_slice %arg6[%dma_wait3A_46, %dma_wait3A_47] : memref<3328x32xf32, #tpu.memory_space<vmem>> -> memref<1664x32xf32, #tpu.memory_space<vmem>>
      %dma_wait3A_49 = arith.constant 0 : i32
      %dma_wait3A_50 = arith.constant 0 : i32
      %dma_wait3A_51 = tpu.memref_slice %arg2[%dma_wait3A_49, %dma_wait3A_50] : memref<2600000x32xf32, #tpu.memory_space<hbm>> -> memref<1664x32xf32, #tpu.memory_space<hbm>>
      %dma_wait3A_52 = arith.constant 0 : i32
      %dma_wait3A_53 = arith.constant 0 : i32
      %dma_wait3A_54 = tpu.memref_slice %arg6[%dma_wait3A_52, %dma_wait3A_53] : memref<3328x32xf32, #tpu.memory_space<vmem>> -> memref<1664x32xf32, #tpu.memory_space<vmem>>
      %dma_wait3A_55 = arith.constant 0 : i32
      %dma_wait3A_56 = arith.constant 0 : i32
      %dma_wait3A_57 = tpu.memref_slice %arg2[%dma_wait3A_55, %dma_wait3A_56] : memref<2600000x32xf32, #tpu.memory_space<hbm>> -> memref<1664x32xf32, #tpu.memory_space<hbm>>
      tpu.wait_dma2 semaphore(%arg7 : memref<!tpu.dma_semaphore, #tpu.memory_space<semaphore_mem>>) src(%dma_wait3A_57 : memref<1664x32xf32, #tpu.memory_space<hbm>>) dst(%dma_wait3A_54 : memref<1664x32xf32, #tpu.memory_space<vmem>>)
      %scan3A_58 = arith.constant 0 : i32
      %scan3A_59 = arith.constant 0 : i32
      %scan3A_60 = arith.constant 26 : i32
      %scan3A_61 = arith.addi %scan3A_59, %scan3A_60 : i32
      %scan3A_62 = arith.constant 1 : i32
      scf.for %scan3A_105 = %scan3A_59 to %scan3A_61 step %scan3A_62  : i32 {
        %mul3A_106 = arith.constant 64 : i32
        %mul3A_107 = arith.muli %scan3A_105, %mul3A_106 : i32
        %add3A_108 = arith.constant 0 : i32
        %add3A_109 = arith.addi %add3A_108, %mul3A_107 : i32
        %mul3A_110 = arith.constant 32 : i32
        %mul3A_111 = arith.muli %scan3A_105, %mul3A_110 : i32
        %dma_start3A = arith.constant 0 : i32
        %dma_start3A_112 = tpu.memref_slice %arg6[%add3A_109, %dma_start3A] : memref<3328x32xf32, #tpu.memory_space<vmem>> -> memref<64x32xf32, #tpu.memory_space<vmem>>
        %dma_start3A_113 = tpu.memref_slice %arg4[%add3A_37, %mul3A_111] : memref<204800x832xf32, #tpu.memory_space<hbm>> -> memref<64x32xf32, #tpu.memory_space<hbm>>
        %dma_start3A_114 = tpu.memref_slice %arg4[%add3A_37, %mul3A_111] : memref<204800x832xf32, #tpu.memory_space<hbm>> -> memref<64x32xf32, #tpu.memory_space<hbm>>
        %dma_start3A_115 = arith.constant 0 : i32
        %dma_start3A_116 = tpu.memref_slice %arg6[%add3A_109, %dma_start3A_115] : memref<3328x32xf32, #tpu.memory_space<vmem>> -> memref<64x32xf32, #tpu.memory_space<vmem>>
        tpu.enqueue_dma source(%dma_start3A_116 : memref<64x32xf32, #tpu.memory_space<vmem>>) target(%dma_start3A_114 : memref<64x32xf32, #tpu.memory_space<hbm>>) target_semaphore(%arg8 : memref<!tpu.dma_semaphore, #tpu.memory_space<semaphore_mem>>)
      }
      %scan3A_63 = arith.constant 26 : i32
      %mul3A_64 = arith.constant 2 : i32
      %mul3A_65 = arith.muli %mul3A_64, %scan3A_29 : i32
      %add3A_66 = arith.constant 1 : i32
      %add3A_67 = arith.addi %mul3A_65, %add3A_66 : i32
      %eq3A_68 = arith.constant 0 : i32
      %eq3A_69 = arith.cmpi eq, %scan3A_29, %eq3A_68 : i32
      %mul3A_70 = arith.constant 6400 : i32
      %mul3A_71 = arith.muli %add3A, %mul3A_70 : i32
      %mul3A_72 = arith.constant 64 : i32
      %mul3A_73 = arith.muli %add3A_67, %mul3A_72 : i32
      %add3A_74 = arith.addi %mul3A_71, %mul3A_73 : i32
      %run_scoped3A_75 = arith.constant 1 : i32
      "tpu.region"() ({
        %run_scoped3A_105 = tpu.sem_alloc : memref<!tpu.dma_semaphore, #tpu.memory_space<semaphore_mem>>
        %dma_start3A = arith.constant 0 : i32
        %dma_start3A_106 = arith.constant 0 : i32
        %dma_start3A_107 = tpu.memref_slice %arg5[%run_scoped3A_75, %dma_start3A, %dma_start3A_106] : memref<2x26x64xi32, #tpu.memory_space<vmem>> -> memref<1x26x64xi32, #tpu.memory_space<vmem>>
        %dma_start3A_108 = tpu.memref_squeeze %dma_start3A_107 : memref<1x26x64xi32, #tpu.memory_space<vmem>> -> memref<26x64xi32, #tpu.memory_space<vmem>>
        %dma_start3A_109 = arith.constant 0 : i32
        %dma_start3A_110 = tpu.memref_slice %arg3[%dma_start3A_109, %add3A_74] : memref<26x204800xi32, #tpu.memory_space<hbm>> -> memref<26x64xi32, #tpu.memory_space<hbm>>
        %dma_start3A_111 = arith.constant 0 : i32
        %dma_start3A_112 = arith.constant 0 : i32
        %dma_start3A_113 = tpu.memref_slice %arg5[%run_scoped3A_75, %dma_start3A_111, %dma_start3A_112] : memref<2x26x64xi32, #tpu.memory_space<vmem>> -> memref<1x26x64xi32, #tpu.memory_space<vmem>>
        %dma_start3A_114 = tpu.memref_squeeze %dma_start3A_113 : memref<1x26x64xi32, #tpu.memory_space<vmem>> -> memref<26x64xi32, #tpu.memory_space<vmem>>
        %dma_start3A_115 = arith.constant 0 : i32
        %dma_start3A_116 = tpu.memref_slice %arg3[%dma_start3A_115, %add3A_74] : memref<26x204800xi32, #tpu.memory_space<hbm>> -> memref<26x64xi32, #tpu.memory_space<hbm>>
        tpu.enqueue_dma source(%dma_start3A_116 : memref<26x64xi32, #tpu.memory_space<hbm>>) target(%dma_start3A_114 : memref<26x64xi32, #tpu.memory_space<vmem>>) target_semaphore(%run_scoped3A_105 : memref<!tpu.dma_semaphore, #tpu.memory_space<semaphore_mem>>)
        %dma_wait3A_117 = arith.constant 0 : i32
        %dma_wait3A_118 = arith.constant 0 : i32
        %dma_wait3A_119 = tpu.memref_slice %arg5[%run_scoped3A_75, %dma_wait3A_117, %dma_wait3A_118] : memref<2x26x64xi32, #tpu.memory_space<vmem>> -> memref<1x26x64xi32, #tpu.memory_space<vmem>>
        %dma_wait3A_120 = tpu.memref_squeeze %dma_wait3A_119 : memref<1x26x64xi32, #tpu.memory_space<vmem>> -> memref<26x64xi32, #tpu.memory_space<vmem>>
        %dma_wait3A_121 = arith.constant 0 : i32
        %dma_wait3A_122 = tpu.memref_slice %arg3[%dma_wait3A_121, %add3A_74] : memref<26x204800xi32, #tpu.memory_space<hbm>> -> memref<26x64xi32, #tpu.memory_space<hbm>>
        %dma_wait3A_123 = arith.constant 0 : i32
        %dma_wait3A_124 = arith.constant 0 : i32
        %dma_wait3A_125 = tpu.memref_slice %arg5[%run_scoped3A_75, %dma_wait3A_123, %dma_wait3A_124] : memref<2x26x64xi32, #tpu.memory_space<vmem>> -> memref<1x26x64xi32, #tpu.memory_space<vmem>>
        %dma_wait3A_126 = tpu.memref_squeeze %dma_wait3A_125 : memref<1x26x64xi32, #tpu.memory_space<vmem>> -> memref<26x64xi32, #tpu.memory_space<vmem>>
        %dma_wait3A_127 = arith.constant 0 : i32
        %dma_wait3A_128 = tpu.memref_slice %arg3[%dma_wait3A_127, %add3A_74] : memref<26x204800xi32, #tpu.memory_space<hbm>> -> memref<26x64xi32, #tpu.memory_space<hbm>>
        tpu.wait_dma2 semaphore(%run_scoped3A_105 : memref<!tpu.dma_semaphore, #tpu.memory_space<semaphore_mem>>) src(%dma_wait3A_128 : memref<26x64xi32, #tpu.memory_space<hbm>>) dst(%dma_wait3A_126 : memref<26x64xi32, #tpu.memory_space<vmem>>)
        tpu.yield
      }) : () -> ()
      %not3A_76 = arith.constant true
      %not3A_77 = arith.xori %eq3A_69, %not3A_76 : i1
      %convert_element_type3A_78 = arith.extui %not3A_77 : i1 to i32
      %cond3A_79 = arith.constant 0 : i32
      %cond3A_80 = arith.cmpi ne, %convert_element_type3A_78, %cond3A_79 : i32
      scf.if %cond3A_80 {
        %dma_wait3A_105 = arith.constant 0 : i32
        %dma_wait3A_106 = arith.constant 0 : i32
        %dma_wait3A_107 = tpu.memref_slice %arg6[%dma_wait3A_105, %dma_wait3A_106] : memref<3328x32xf32, #tpu.memory_space<vmem>> -> memref<1664x32xf32, #tpu.memory_space<vmem>>
        %dma_wait3A_108 = arith.constant 0 : i32
        %dma_wait3A_109 = arith.constant 0 : i32
        %dma_wait3A_110 = tpu.memref_slice %arg4[%dma_wait3A_108, %dma_wait3A_109] : memref<204800x832xf32, #tpu.memory_space<hbm>> -> memref<64x832xf32, #tpu.memory_space<hbm>>
        %dma_wait3A_111 = arith.constant 0 : i32
        %dma_wait3A_112 = arith.constant 0 : i32
        %dma_wait3A_113 = tpu.memref_slice %arg4[%dma_wait3A_111, %dma_wait3A_112] : memref<204800x832xf32, #tpu.memory_space<hbm>> -> memref<64x832xf32, #tpu.memory_space<hbm>>
        %dma_wait3A_114 = arith.constant 0 : i32
        %dma_wait3A_115 = arith.constant 0 : i32
        %dma_wait3A_116 = tpu.memref_slice %arg6[%dma_wait3A_114, %dma_wait3A_115] : memref<3328x32xf32, #tpu.memory_space<vmem>> -> memref<1664x32xf32, #tpu.memory_space<vmem>>
        tpu.wait_dma2 semaphore(%arg9 : memref<!tpu.dma_semaphore, #tpu.memory_space<semaphore_mem>>) src(%dma_wait3A_116 : memref<1664x32xf32, #tpu.memory_space<vmem>>) dst(%dma_wait3A_113 : memref<64x832xf32, #tpu.memory_space<hbm>>)
      } else {
      }
      %scan3A_81 = arith.constant 0 : i32
      %scan3A_82 = arith.constant 0 : i32
      %scan3A_83 = arith.constant 26 : i32
      %scan3A_84 = arith.addi %scan3A_82, %scan3A_83 : i32
      %scan3A_85 = arith.constant 1 : i32
      scf.for %scan3A_105 = %scan3A_82 to %scan3A_84 step %scan3A_85  : i32 {
        %mul3A_106 = arith.constant 64 : i32
        %mul3A_107 = arith.muli %scan3A_105, %mul3A_106 : i32
        %add3A_108 = arith.constant 1664 : i32
        %add3A_109 = arith.addi %add3A_108, %mul3A_107 : i32
        %dma_start3A = arith.constant 1 : i32
        %dma_start3A_110 = arith.constant 0 : i32
        %dma_start3A_111 = tpu.memref_slice %arg6[%add3A_109, %dma_start3A_110] : memref<3328x32xf32, #tpu.memory_space<vmem>> -> memref<64x32xf32, #tpu.memory_space<vmem>>
        %dma_start3A_112 = arith.constant 0 : i32
        %dma_start3A_113 = tpu.memref_slice %arg5[%dma_start3A, %scan3A_105, %dma_start3A_112] : memref<2x26x64xi32, #tpu.memory_space<vmem>> -> memref<1x1x64xi32, #tpu.memory_space<vmem>>
        %dma_start3A_114 = tpu.memref_squeeze %dma_start3A_113 : memref<1x1x64xi32, #tpu.memory_space<vmem>> -> memref<64xi32, #tpu.memory_space<vmem>>
        %dma_start3A_115 = arith.constant 0 : i32
        %dma_start3A_116 = arith.constant 0 : i32
        %dma_start3A_117 = tpu.memref_slice %arg2[%dma_start3A_115, %dma_start3A_116] : memref<2600000x32xf32, #tpu.memory_space<hbm>> -> memref<2600000x32xf32, #tpu.memory_space<hbm>>
        tpu.enqueue_indirect_dma source(%dma_start3A_117 : memref<2600000x32xf32, #tpu.memory_space<hbm>>) target(%dma_start3A_111 : memref<64x32xf32, #tpu.memory_space<vmem>>) offsets(%dma_start3A_114 : memref<64xi32, #tpu.memory_space<vmem>>) semaphore(%arg7 : memref<!tpu.dma_semaphore, #tpu.memory_space<semaphore_mem>>)
      }
      %scan3A_86 = arith.constant 26 : i32
      %dma_wait3A_87 = arith.constant 0 : i32
      %dma_wait3A_88 = arith.constant 0 : i32
      %dma_wait3A_89 = tpu.memref_slice %arg6[%dma_wait3A_87, %dma_wait3A_88] : memref<3328x32xf32, #tpu.memory_space<vmem>> -> memref<1664x32xf32, #tpu.memory_space<vmem>>
      %dma_wait3A_90 = arith.constant 0 : i32
      %dma_wait3A_91 = arith.constant 0 : i32
      %dma_wait3A_92 = tpu.memref_slice %arg2[%dma_wait3A_90, %dma_wait3A_91] : memref<2600000x32xf32, #tpu.memory_space<hbm>> -> memref<1664x32xf32, #tpu.memory_space<hbm>>
      %dma_wait3A_93 = arith.constant 0 : i32
      %dma_wait3A_94 = arith.constant 0 : i32
      %dma_wait3A_95 = tpu.memref_slice %arg6[%dma_wait3A_93, %dma_wait3A_94] : memref<3328x32xf32, #tpu.memory_space<vmem>> -> memref<1664x32xf32, #tpu.memory_space<vmem>>
      %dma_wait3A_96 = arith.constant 0 : i32
      %dma_wait3A_97 = arith.constant 0 : i32
      %dma_wait3A_98 = tpu.memref_slice %arg2[%dma_wait3A_96, %dma_wait3A_97] : memref<2600000x32xf32, #tpu.memory_space<hbm>> -> memref<1664x32xf32, #tpu.memory_space<hbm>>
      tpu.wait_dma2 semaphore(%arg7 : memref<!tpu.dma_semaphore, #tpu.memory_space<semaphore_mem>>) src(%dma_wait3A_98 : memref<1664x32xf32, #tpu.memory_space<hbm>>) dst(%dma_wait3A_95 : memref<1664x32xf32, #tpu.memory_space<vmem>>)
      %scan3A_99 = arith.constant 0 : i32
      %scan3A_100 = arith.constant 0 : i32
      %scan3A_101 = arith.constant 26 : i32
      %scan3A_102 = arith.addi %scan3A_100, %scan3A_101 : i32
      %scan3A_103 = arith.constant 1 : i32
      scf.for %scan3A_105 = %scan3A_100 to %scan3A_102 step %scan3A_103  : i32 {
        %mul3A_106 = arith.constant 64 : i32
        %mul3A_107 = arith.muli %scan3A_105, %mul3A_106 : i32
        %add3A_108 = arith.constant 1664 : i32
        %add3A_109 = arith.addi %add3A_108, %mul3A_107 : i32
        %mul3A_110 = arith.constant 32 : i32
        %mul3A_111 = arith.muli %scan3A_105, %mul3A_110 : i32
        %dma_start3A = arith.constant 0 : i32
        %dma_start3A_112 = tpu.memref_slice %arg6[%add3A_109, %dma_start3A] : memref<3328x32xf32, #tpu.memory_space<vmem>> -> memref<64x32xf32, #tpu.memory_space<vmem>>
        %dma_start3A_113 = tpu.memref_slice %arg4[%add3A_74, %mul3A_111] : memref<204800x832xf32, #tpu.memory_space<hbm>> -> memref<64x32xf32, #tpu.memory_space<hbm>>
        %dma_start3A_114 = tpu.memref_slice %arg4[%add3A_74, %mul3A_111] : memref<204800x832xf32, #tpu.memory_space<hbm>> -> memref<64x32xf32, #tpu.memory_space<hbm>>
        %dma_start3A_115 = arith.constant 0 : i32
        %dma_start3A_116 = tpu.memref_slice %arg6[%add3A_109, %dma_start3A_115] : memref<3328x32xf32, #tpu.memory_space<vmem>> -> memref<64x32xf32, #tpu.memory_space<vmem>>
        tpu.enqueue_dma source(%dma_start3A_116 : memref<64x32xf32, #tpu.memory_space<vmem>>) target(%dma_start3A_114 : memref<64x32xf32, #tpu.memory_space<hbm>>) target_semaphore(%arg9 : memref<!tpu.dma_semaphore, #tpu.memory_space<semaphore_mem>>)
      }
      %scan3A_104 = arith.constant 26 : i32
    }
    %scan3A_5 = arith.constant 50 : i32
    %dma_wait3A = arith.constant 0 : i32
    %dma_wait3A_6 = arith.constant 0 : i32
    %dma_wait3A_7 = tpu.memref_slice %arg6[%dma_wait3A, %dma_wait3A_6] : memref<3328x32xf32, #tpu.memory_space<vmem>> -> memref<1664x32xf32, #tpu.memory_space<vmem>>
    %dma_wait3A_8 = arith.constant 0 : i32
    %dma_wait3A_9 = arith.constant 0 : i32
    %dma_wait3A_10 = tpu.memref_slice %arg4[%dma_wait3A_8, %dma_wait3A_9] : memref<204800x832xf32, #tpu.memory_space<hbm>> -> memref<64x832xf32, #tpu.memory_space<hbm>>
    %dma_wait3A_11 = arith.constant 0 : i32
    %dma_wait3A_12 = arith.constant 0 : i32
    %dma_wait3A_13 = tpu.memref_slice %arg4[%dma_wait3A_11, %dma_wait3A_12] : memref<204800x832xf32, #tpu.memory_space<hbm>> -> memref<64x832xf32, #tpu.memory_space<hbm>>
    %dma_wait3A_14 = arith.constant 0 : i32
    %dma_wait3A_15 = arith.constant 0 : i32
    %dma_wait3A_16 = tpu.memref_slice %arg6[%dma_wait3A_14, %dma_wait3A_15] : memref<3328x32xf32, #tpu.memory_space<vmem>> -> memref<1664x32xf32, #tpu.memory_space<vmem>>
    tpu.wait_dma2 semaphore(%arg8 : memref<!tpu.dma_semaphore, #tpu.memory_space<semaphore_mem>>) src(%dma_wait3A_16 : memref<1664x32xf32, #tpu.memory_space<vmem>>) dst(%dma_wait3A_13 : memref<64x832xf32, #tpu.memory_space<hbm>>)
    %dma_wait3A_17 = arith.constant 0 : i32
    %dma_wait3A_18 = arith.constant 0 : i32
    %dma_wait3A_19 = tpu.memref_slice %arg6[%dma_wait3A_17, %dma_wait3A_18] : memref<3328x32xf32, #tpu.memory_space<vmem>> -> memref<1664x32xf32, #tpu.memory_space<vmem>>
    %dma_wait3A_20 = arith.constant 0 : i32
    %dma_wait3A_21 = arith.constant 0 : i32
    %dma_wait3A_22 = tpu.memref_slice %arg4[%dma_wait3A_20, %dma_wait3A_21] : memref<204800x832xf32, #tpu.memory_space<hbm>> -> memref<64x832xf32, #tpu.memory_space<hbm>>
    %dma_wait3A_23 = arith.constant 0 : i32
    %dma_wait3A_24 = arith.constant 0 : i32
    %dma_wait3A_25 = tpu.memref_slice %arg4[%dma_wait3A_23, %dma_wait3A_24] : memref<204800x832xf32, #tpu.memory_space<hbm>> -> memref<64x832xf32, #tpu.memory_space<hbm>>
    %dma_wait3A_26 = arith.constant 0 : i32
    %dma_wait3A_27 = arith.constant 0 : i32
    %dma_wait3A_28 = tpu.memref_slice %arg6[%dma_wait3A_26, %dma_wait3A_27] : memref<3328x32xf32, #tpu.memory_space<vmem>> -> memref<1664x32xf32, #tpu.memory_space<vmem>>
    tpu.wait_dma2 semaphore(%arg9 : memref<!tpu.dma_semaphore, #tpu.memory_space<semaphore_mem>>) src(%dma_wait3A_28 : memref<1664x32xf32, #tpu.memory_space<vmem>>) dst(%dma_wait3A_25 : memref<64x832xf32, #tpu.memory_space<hbm>>)
    return
  }
}

</mosaic_0001>

<sc_bundles>
// kernel: kernel.3.cloned.1.call-start
scs
__scs_entry_jumppad:
0x0: {  	(pc) =	sbr.rel $0x88, $3  }
0x1: {  	(tag) =	ssettag $0x0;
	lr =	simm.s32 $0x1  }
0x2: {  	[smem:$0x3F9F] =	sst lr;
	_ =	strace $0xD0000000  }
0x3: {  	_ = 	snop  }
0x4: {  	_ = 	snop  }
0x5: {  	_ = 	snop  }
0x6: {  	_ = 	snop  }
0x7: {  	_ = 	snop  }
__scs_overlays_trampoline_lowered:
0x8: {  	[smem:$0x3FAE] =	sst s0  }
0x9: {  	[smem:$0x3FAF] =	sst s1  }
0xa: {  	[smem:$0x3FB0] =	sst s2  }
0xb: {  	[smem:$0x3FB1] =	sst s3  }
0xc: {  	[smem:$0x3FB2] =	sst s4  }
0xd: {  	[smem:$0x3FB3] =	sst s5  }
0xe: {  	[smem:$0x3FB4] =	sst s6  }
0xf: {  	[smem:$0x3FB5] =	sst s7  }
0x10: {  	[smem:$0x3FB6] =	sst s8  }
0x11: {  	[smem:$0x3FB7] =	sst s9;
	s0 =	simm.s32 @!p0 $0x0  }
0x12: {  	s1 =	sld [smem:$0x3F9D];
	s0 =	simm.s32 @p0 $0x1  }
0x13: {  	[smem:$0x3FB8] =	sst s0;
	s0 =	simm.s32 @!p1 $0x0  }
0x14: {  	s2 =	sld [smem:$0x3F9C];
	s0 =	simm.s32 @p1 $0x1  }
0x15: {  	[smem:$0x3FB9] =	sst s0;
	s0 =	simm.s32 @!p2 $0x0  }
0x16: {  	s3 =	sld [smem:$0x3FDB];
	s0 =	simm.s32 @p2 $0x1  }
0x17: {  	s4 =	simm.s32 $0x1BF5;
	[smem:$0x3FBB] =	sst s0  }
0x18: {  	s0 =	sld [smem:$0x3F9E];
	_ =	swait.ge [sflag:s4], $0x0  }
0x19: {  	s7 =	sld [smem:$0x3F9F]  }
0x1a: {  	s8 =	sadd.s32 $0xFFFFE003, lr  }
0x1b: {  	s9 =	sadd.s32 $0xFFFFFEF7, lr;
	s5 =	simm.s32 $0xFFFFFFFF;
	p2 =	slt.u32 s8, $0xFFFFF086  }
0x1c: {  	p1 =	slt.u32 s9, $0xF7A;
	s5 =	simm.s32 @!p2 $0x0  }
0x1d: {  	s5 =	simm.s32 @p1 $0x1;
	p0 =	seq.s32 s7, s2  }
0x1e: {  	s7 =	smul.u32 @!p0 $0xF7A, s2;
	p2 =	seq.s32 @!p0 s5, $0x0  }
0x1f: {  	s9 =	smul.u32 $0xF7A, s1;
	s8 =	simm.s32 @!p0 $0x1BF5;
	p2 =	por !p2, p0  }
0x20: {  	[sflag:s8] =	ssyncset.s32 @!p0 $0xFFFFF086;
	s6 =	sadd.s32 @!p0 s3, s7;
	s7 =	simm.s32 @!p0 $0x108  }
0x21: {  	s3 =	sadd.s32 s3, s9;
	s6 =	sadd.s32 @!p0 $0x88, s6;
	s7 =	simm.s32 @p2 $0x1082  }
0x22: {  	[simem:s7], [sflag:s8] =	dma.local @!p0 [hbm:s6], $0xF7A  }
0x23: {  	s9 =	sor.u32 $0xD0000000, s2;
	s6 =	simm.s32 $0x108;
	_ =	swait.ge @!p0 [sflag:s8], $0x0  }
0x24: {  	s3 =	sadd.s32 $0x88, s3;
	s6 =	simm.s32 @!p1 $0x1082;
	[sflag:s4] =	ssyncset.s32 $0xFFFFF086  }
0x25: {  	[simem:s6], [sflag:s4] =	dma.local [hbm:s3], $0xF7A  }
0x26: {  	[smem:$0x3F9F] =	sst s1;
	(tag) =	ssettag s2;
	_ =	strace s9  }
0x27: {  	s1 =	sld [smem:$0x3FAF]  }
0x28: {  	s2 =	sld [smem:$0x3FB0]  }
0x29: {  	s4 =	sld [smem:$0x3FB2]  }
0x2a: {  	p0 =	seq.s32 s5, $0x0;
	s5 =	sld [smem:$0x3FB3]  }
0x2b: {  	s6 =	sld [smem:$0x3FB4]  }
0x2c: {  	s7 =	sld [smem:$0x3FB5]  }
0x2d: {  	s3 =	simm.s32 $0x108;
	s8 =	sld [smem:$0x3FB6]  }
0x2e: {  	s3 =	simm.s32 @!p0 $0x1082;
	s9 =	sld [smem:$0x3FB7]  }
0x2f: {  	lr =	sadd.s32 s0, s3;
	s0 =	sld [smem:$0x3FAE]  }
0x30: {  	s3 =	sld [smem:$0x3FB1]  }
0x31: {  	[smem:$0x3FBA] =	sst s10  }
0x32: {  	s10 =	sld [smem:$0x3FB8];
	_ =	sdelay $0x3  }
0x33: {  	p0 =	seq.s32 s10, $0x1;
	s10 =	sld [smem:$0x3FBA];
	_ =	sdelay $0x3  }
0x34: {  	[smem:$0x3FBA] =	sst s10  }
0x35: {  	s10 =	sld [smem:$0x3FB9];
	_ =	sdelay $0x3  }
0x36: {  	p1 =	seq.s32 s10, $0x1;
	s10 =	sld [smem:$0x3FBA];
	_ =	sdelay $0x3  }
0x37: {  	[smem:$0x3FBA] =	sst s10  }
0x38: {  	s10 =	sld [smem:$0x3FBB]  }
0x39: {  	_ = 	snop;
	(pc) =	sbr.ind lr, $3  }
0x3a: {  	_ = 	snop  }
0x3b: {  	_ = 	snop  }
0x3c: {  	p2 =	seq.s32 s10, $0x1;
	s10 =	sld [smem:$0x3FBA]  }
0x3d: {  	_ =	shalt  }
0x3e: {  	_ =	shalt  }
0x3f: {  	_ =	shalt  }
0x40: {  	_ =	shalt  }
0x41: {  	_ =	shalt  }
0x42: {  	_ =	shalt  }
0x43: {  	_ =	shalt  }
0x44: {  	_ =	shalt  }
0x45: {  	_ =	shalt  }
0x46: {  	_ =	shalt  }
0x47: {  	_ =	shalt  }
0x48: {  	_ =	shalt  }
0x49: {  	_ =	shalt  }
0x4a: {  	_ =	shalt  }
0x4b: {  	_ =	shalt  }
0x4c: {  	_ =	shalt  }
0x4d: {  	_ =	shalt  }
0x4e: {  	_ =	shalt  }
0x4f: {  	_ =	shalt  }
0x50: {  	_ =	shalt  }
0x51: {  	_ =	shalt  }
0x52: {  	_ =	shalt  }
0x53: {  	_ =	shalt  }
0x54: {  	_ =	shalt  }
0x55: {  	_ =	shalt  }
0x56: {  	_ =	shalt  }
0x57: {  	_ =	shalt  }
0x58: {  	_ =	shalt  }
0x59: {  	_ =	shalt  }
0x5a: {  	_ =	shalt  }
0x5b: {  	_ =	shalt  }
0x5c: {  	_ =	shalt  }
0x5d: {  	_ =	shalt  }
0x5e: {  	_ =	shalt  }
0x5f: {  	_ =	shalt  }
0x60: {  	_ =	shalt  }
0x61: {  	_ =	shalt  }
0x62: {  	_ =	shalt  }
0x63: {  	_ =	shalt  }
0x64: {  	_ =	shalt  }
0x65: {  	_ =	shalt  }
0x66: {  	_ =	shalt  }
0x67: {  	_ =	shalt  }
0x68: {  	_ =	shalt  }
0x69: {  	_ =	shalt  }
0x6a: {  	_ =	shalt  }
0x6b: {  	_ =	shalt  }
0x6c: {  	_ =	shalt  }
0x6d: {  	_ =	shalt  }
0x6e: {  	_ =	shalt  }
0x6f: {  	_ =	shalt  }
0x70: {  	_ =	shalt  }
0x71: {  	_ =	shalt  }
0x72: {  	_ =	shalt  }
0x73: {  	_ =	shalt  }
0x74: {  	_ =	shalt  }
0x75: {  	_ =	shalt  }
0x76: {  	_ =	shalt  }
0x77: {  	_ =	shalt  }
0x78: {  	_ =	shalt  }
0x79: {  	_ =	shalt  }
0x7a: {  	_ =	shalt  }
0x7b: {  	_ =	shalt  }
0x7c: {  	_ =	shalt  }
0x7d: {  	_ =	shalt  }
0x7e: {  	_ =	shalt  }
0x7f: {  	_ =	shalt  }
0x80: {  	_ =	shalt  }
0x81: {  	_ =	shalt  }
0x82: {  	_ =	shalt  }
0x83: {  	_ =	shalt  }
0x84: {  	_ =	shalt  }
0x85: {  	_ =	shalt  }
0x86: {  	_ =	shalt  }
0x87: {  	_ =	shalt  }
.Lfunc_end0:
.L_simem_size_0:
called_computation.1_lowered:
.L_overlay_start_0:
0x88: {  	s2 =	sld [smem:$0x3FD9]  }
0x89: {  	s3 =	sld [smem:$0x3FFE];
	_ =	sdelay $0x1  }
0x8a: {  	s1 =	srdreg.scid  }
0x8b: {  	s0 =	sand.u32 $0x1, s1  }
0x8c: {  	s17 =	sshll.u32 s0, $0xA;
	s2 =	sadd.s32 s3, s2  }
0x8d: {  	s2 =	sadd.s32 s2, s17  }
0x8e: {  	[smem:$0x3FC6] =	sst s2  }
0x8f: {  	_ = 	snop  }
0x90: {  	s2 =	sld [smem:$0x3FD0];
	(tm) =	ssettm $0x1  }
0x91: {  	s18 =	sld [smem:$0x3FFB];
	_ =	sdelay $0x3  }
0x92: {  	_ =	strace s18  }
0x93: {  	s3 =	sld [smem:$0x3FFC];
	_ =	sdelay $0x3  }
0x94: {  	_ =	strace s3  }
0x95: {  	s3 =	sld [smem:$0x3FFD];
	_ =	sdelay $0x3  }
0x96: {  	_ =	strace s3  }
0x97: {  	_ =	strace $0x8FFFFFFF  }
0x98: {  	s19 =	sld [smem:$0x3FDB];
	_ =	sdelay $0x1  }
0x99: {  	s4 =	simm.s32 $_scs_section_size  }
0x9a: {  	s5 =	simm.s32 $_size__tile_overlayer_lowered;
	s6 =	simm.s32 $_tile_overlayer_lowered  }
0x9b: {  	s22 =	simm.s32 $0x1BFF;
	s21 =	sshll.u32 s6, $0x1;
	s3 =	sadd.s32 s4, s19  }
0x9c: {  	s7 =	simm.s32 $0x0;
	s20 =	sshll.u32 s5, $0x1;
	s5 =	sadd.s32 s21, s3  }
0x9d: {  	[timem:s7], [sflag:s22] =	dma.local [hbm:s5], s20  }
0x9e: {  	_ =	swait.ge [sflag:s22], s20  }
0x9f: {  	s4 =	ssub.s32 $0x0, s20;
	[sflag:s22] =	ssyncset.done $0x0  }
0xa0: {  	[sflag:s22] =	ssyncadd.s32 s4;
	_ =	sdelay $0x1  }
0xa1: {  	s23 =	simm.s32 $0x1B8B  }
0xa2: {  	_ =	swait.ge [sflag:s23], $0x1  }
0xa3: {  	[sflag:s23] =	ssyncset.done $0x0  }
0xa4: {  	s25 =	simm.s32 $0x1B8E;
	s24 =	sld [smem:$0x3FFE];
	[sflag:s23] =	ssyncadd.s32 $0xFFFFFFFF  }
0xa5: {  	s26 =	simm.s32 $execute0_lowered;
	[smem:$0x3FD2] =	sst s25  }
0xa6: {  	s5 =	sshll.u32 s26, $0x1;
	_ =	strace $0x80000046;
	[dreg:$0x1] =	wrdreg $0xFFFFFFFF  }
0xa7: {  	s28 =	simm.s32 $_size_execute0_lowered;
	s3 =	sadd.s32 s3, s5;
	[dreg:$0x0] =	wrdreg $0x0  }
0xa8: {  	s5 =	sshll.u32 s28, $0x1;
	[dreg:$0x2] =	wrdreg s3  }
0xa9: {  	[dreg:$0x3] =	wrdreg s5  }
0xaa: {  	[dreg:$0x4] =	wrdreg $0xC0  }
0xab: {  	_ =	task [dreg:s7], $0x5FFFF  }
0xac: {  	[dreg:$0x1] =	wrdreg $0xFFFFFFFF  }
0xad: {  	[dreg:$0x0] =	wrdreg $0x60  }
0xae: {  	[dreg:$0x2] =	wrdreg s24  }
0xaf: {  	[dreg:$0x3] =	wrdreg s2  }
0xb0: {  	[dreg:$0x4] =	wrdreg $0x9  }
0xb1: {  	_ =	task.clear_ibuf [dreg:s7], $0x5FFFF;
	_ =	strace $0x90000046  }
0xb2: {  	s29 =	simm.s32 $0x9;
	_ =	strace $0x80000048  }
0xb3: {  	_ =	swait.ge [sflag:s29], $0x1  }
0xb4: {  	[sflag:s29] =	ssyncadd.s32 $0xFFFFFFFF  }
0xb5: {  	_ =	strace $0x90000048  }
0xb6: {  	_ =	sfence  }
0xb7: {  	s30 =	sld [smem:$0x0];
	_ =	sdelay $0x2  }
0xb8: {  	s31 =	sshll.u32 s1, $0xD;
	s1 =	sshrl.u32 s1, $0x2  }
0xb9: {  	s3 =	sand.u32 $0x4000, s31;
	s1 =	sadd.s32 s1, s30  }
0xba: {  	s0 =	sor.u32 s3, s0;
	s1 =	sshll.u32 s1, $0x11  }
0xbb: {  	s0 =	sor.u32 s1, s0  }
0xbc: {  	s0 =	sadd.s32 $0x8F2B, s0  }
0xbd: {  	[sflag:s0] =	ssyncadd.remote.s32 $0x1  }
0xbe: {  	_ =	sfence.sel $0xFFFF  }
0xbf: {  	[dreg:$0x0] =	wrdreg $0xFFFFFFFF;
	(pc) =	sbr.abs _section_cstart, $3  }
0xc0: {  	[dreg:$0x1] =	wrdreg $0xFFFFFFFF  }
0xc1: {  	_ =	task.clear_ibuf [dreg:s7], $0x2FFFF;
	_ =	strace $0x9FFFFFFF  }
0xc2: {  	(tm) =	ssettm $0x7FFFFFFF  }
0xc3: {  	_ =	shalt  }
tec
execute0_lowered:
.L_overlay_start_1:
0x0: {  	(tag) =	ssettag $0x1  }
0x1: {  	s0 =	rddreg [dreg:$0x0]  }
0x2: {  	s1 =	rddreg [dreg:$0x1];
	s2 =	simm.s32 $0x0  }
0x3: {  	s21 =	srdreg.scid;
	s9 =	stileid.u32;
	s10 =	simm.s32 $0x32000  }
0x4: {  	s11 =	simm.s32 $0x4;
	s28 =	simm.s32 $0xB500;
	s29 =	simm.s32 $0x580  }
0x5: {  	s30 =	simm.s32 $0xBD00;
	s31 =	simm.s32 $0x5C0;
	s12 =	simm.s32 $0x1  }
0x6: {  	s13 =	simm.s32 $0x20;
	s14 =	simm.s32 $0x680;
	s17 =	simm.s32 $0x0  }
0x7: {  	[smem:$0x7FF] =	sst s2;
	s3 =	sadd.s32 $0x27AD000, s0;
	s6 =	smul.u32 $0xA28000, s9  }
0x8: {  	s2 =	sand.u32 $0x1, s21;
	s8 =	sshll.u32 s9, $0x1;
	s9 =	smul.u32 $0x145000, s9  }
0x9: {  	s4 =	sadd.s32 $0xC00, s0;
	_ =	strace $0x80000047;
	s7 =	smul.u32 $0x514000, s2  }
0xa: {  	s22 =	ssub.s32 $0x2, s2;
	s23 =	sor.u32 s2, s8;
	s2 =	smul.u32 $0xA2800, s2  }
0xb: {  	s8 =	simm.s32 $0x340;
	s5 =	sshrl.u32 s22, $0x1;
	s24 =	sadd.s32 s9, s1  }
0xc: {  	s9 =	simm.s32 $0x40;
	s0 =	ssub.s32 s22, s5;
	s5 =	smul.u32 $0x1900, s23  }
0xd: {  	s6 =	sadd.s32 s7, s6;
	s2 =	sadd.s32 s2, s24;
	s23 =	simm.s32 $0xA500  }
0xe: {  	s24 =	simm.s32 $0x500;
	s7 =	simm.s32 $0x640;
	s0 =	smax.u32 s0, $0x1  }
0xf: {  	s25 =	sshrl.u32 s6, $0x3;
	s26 =	sadd.s32 $0x1A00, s2;
	s6 =	simm.s32 $0xCD00  }
0x10: {  	s2 =	simm.s32 $0xD500;
	[dreg:$0x3] =	wrdreg s0;
	s0 =	sadd.s32 s25, s1  }
0x11: {  	[dreg:$0x5] =	wrdreg s26;
	s25 =	simm.s32 $0xAD00;
	s26 =	simm.s32 $0x540  }
0x12: {  	s1 =	simm.s32 $0x600;
	[dreg:$0x4] =	wrdreg s0;
	s0 =	simm.s32 $0xC500  }
.LBB2_1:
0x13: {  	[dreg:$0x6] =	wrdreg s17  }
0x14: {  	s15 =	rddreg [dreg:$0x5]  }
0x15: {  	s16 =	rddreg [dreg:$0x4];
	s17 =	simm.s32 $0x0  }
.LBB2_2:
0x16: {  	s18 =	sshll.u32 s17, $0x7  }
0x17: {  	s19 =	sadd.s32 s5, s18  }
0x18: {  	s19 =	sshrl.u32 s19, $0x3  }
0x19: {  	s20 =	simm.s32 $0x0;
	s19 =	sadd.s32 s4, s19  }
0x1a: {  	[tilespmem:s20], [sflag:$0x4] =	stream.strided.gather [hbm4b:s19+s9], $0x680, s10, s9, $0x38;
	[tilespmem:$0x1AD00] =	vst v63  }
0x1b: {  	_ =	swait.ge [sflag:s11], $0x680  }
0x1c: {  	p0 =	seq.s32 s17, $0x0;
	[sflag:s11] =	ssyncset.done $0x0  }
0x1d: {  	s19 =	simm.s32 @!p0 $0x2;
	[sflag:s11] =	ssyncadd.s32 $0xFFFFF980  }
0x1e: {  	_ =	swait.ge @!p0 [sflag:s19], $0xD000  }
0x1f: {  	[sflag:s19] =	ssyncset.done @!p0 $0x0  }
0x20: {  	s22 =	simm.s32 $0x0;
	[sflag:s19] =	ssyncadd.s32 @!p0 $0xFFFF3000;
	s19 =	simm.s32 $0xD00  }
0x21: {  	[tilespmem:s19], [sflag:$0x1] =	stream.indirect.gather [hbm4b:s3+s9], $0x20, s22, s9, $0xb8;
	[tilespmem:$0x1AD00] =	vst v63  }
0x22: {  	s21 =	simm.s32 $0x1500  }
0x23: {  	[tilespmem:s21], [sflag:$0x1] =	stream.indirect.gather [hbm4b:s3+s9], $0x20, s9, s9, $0xb8;
	[tilespmem:$0x1AD00] =	vst v63  }
0x24: {  	s22 =	simm.s32 $0x80;
	s21 =	simm.s32 $0x1D00  }
0x25: {  	[tilespmem:s21], [sflag:$0x1] =	stream.indirect.gather [hbm4b:s3+s9], $0x20, s22, s9, $0xb8;
	[tilespmem:$0x1AD00] =	vst v63  }
0x26: {  	s21 =	simm.s32 $0xC0;
	s22 =	simm.s32 $0x2500  }
0x27: {  	[tilespmem:s22], [sflag:$0x1] =	stream.indirect.gather [hbm4b:s3+s9], $0x20, s21, s9, $0xb8;
	[tilespmem:$0x1AD00] =	vst v63  }
0x28: {  	s21 =	simm.s32 $0x100;
	s22 =	simm.s32 $0x2D00  }
0x29: {  	[tilespmem:s22], [sflag:$0x1] =	stream.indirect.gather [hbm4b:s3+s9], $0x20, s21, s9, $0xb8;
	[tilespmem:$0x1AD00] =	vst v63  }
0x2a: {  	s21 =	simm.s32 $0x140;
	s22 =	simm.s32 $0x3500  }
0x2b: {  	[tilespmem:s22], [sflag:$0x1] =	stream.indirect.gather [hbm4b:s3+s9], $0x20, s21, s9, $0xb8;
	[tilespmem:$0x1AD00] =	vst v63  }
0x2c: {  	s21 =	simm.s32 $0x180;
	s22 =	simm.s32 $0x3D00  }
0x2d: {  	[tilespmem:s22], [sflag:$0x1] =	stream.indirect.gather [hbm4b:s3+s9], $0x20, s21, s9, $0xb8;
	[tilespmem:$0x1AD00] =	vst v63  }
0x2e: {  	s21 =	simm.s32 $0x1C0;
	s22 =	simm.s32 $0x4500  }
0x2f: {  	[tilespmem:s22], [sflag:$0x1] =	stream.indirect.gather [hbm4b:s3+s9], $0x20, s21, s9, $0xb8;
	[tilespmem:$0x1AD00] =	vst v63  }
0x30: {  	s21 =	simm.s32 $0x200;
	s22 =	simm.s32 $0x4D00  }
0x31: {  	[tilespmem:s22], [sflag:$0x1] =	stream.indirect.gather [hbm4b:s3+s9], $0x20, s21, s9, $0xb8;
	[tilespmem:$0x1AD00] =	vst v63  }
0x32: {  	s21 =	simm.s32 $0x240;
	s22 =	simm.s32 $0x5500  }
0x33: {  	[tilespmem:s22], [sflag:$0x1] =	stream.indirect.gather [hbm4b:s3+s9], $0x20, s21, s9, $0xb8;
	[tilespmem:$0x1AD00] =	vst v63  }
0x34: {  	s21 =	simm.s32 $0x280;
	s22 =	simm.s32 $0x5D00  }
0x35: {  	[tilespmem:s22], [sflag:$0x1] =	stream.indirect.gather [hbm4b:s3+s9], $0x20, s21, s9, $0xb8;
	[tilespmem:$0x1AD00] =	vst v63  }
0x36: {  	s21 =	simm.s32 $0x2C0;
	s22 =	simm.s32 $0x6500  }
0x37: {  	[tilespmem:s22], [sflag:$0x1] =	stream.indirect.gather [hbm4b:s3+s9], $0x20, s21, s9, $0xb8;
	[tilespmem:$0x1AD00] =	vst v63  }
0x38: {  	s21 =	simm.s32 $0x300;
	s22 =	simm.s32 $0x6D00  }
0x39: {  	[tilespmem:s22], [sflag:$0x1] =	stream.indirect.gather [hbm4b:s3+s9], $0x20, s21, s9, $0xb8;
	[tilespmem:$0x1AD00] =	vst v63  }
0x3a: {  	s22 =	simm.s32 $0x7500  }
0x3b: {  	[tilespmem:s22], [sflag:$0x1] =	stream.indirect.gather [hbm4b:s3+s9], $0x20, s8, s9, $0xb8;
	[tilespmem:$0x1AD00] =	vst v63  }
0x3c: {  	s21 =	simm.s32 $0x380;
	s22 =	simm.s32 $0x7D00  }
0x3d: {  	[tilespmem:s22], [sflag:$0x1] =	stream.indirect.gather [hbm4b:s3+s9], $0x20, s21, s9, $0xb8;
	[tilespmem:$0x1AD00] =	vst v63  }
0x3e: {  	s21 =	simm.s32 $0x3C0;
	s22 =	simm.s32 $0x8500  }
0x3f: {  	[tilespmem:s22], [sflag:$0x1] =	stream.indirect.gather [hbm4b:s3+s9], $0x20, s21, s9, $0xb8;
	[tilespmem:$0x1AD00] =	vst v63  }
0x40: {  	s21 =	simm.s32 $0x400;
	s22 =	simm.s32 $0x8D00  }
0x41: {  	[tilespmem:s22], [sflag:$0x1] =	stream.indirect.gather [hbm4b:s3+s9], $0x20, s21, s9, $0xb8;
	[tilespmem:$0x1AD00] =	vst v63  }
0x42: {  	s21 =	simm.s32 $0x440;
	s22 =	simm.s32 $0x9500  }
0x43: {  	[tilespmem:s22], [sflag:$0x1] =	stream.indirect.gather [hbm4b:s3+s9], $0x20, s21, s9, $0xb8;
	[tilespmem:$0x1AD00] =	vst v63  }
0x44: {  	s21 =	simm.s32 $0x480;
	s22 =	simm.s32 $0x9D00  }
0x45: {  	[tilespmem:s22], [sflag:$0x1] =	stream.indirect.gather [hbm4b:s3+s9], $0x20, s21, s9, $0xb8;
	[tilespmem:$0x1AD00] =	vst v63  }
0x46: {  	s22 =	simm.s32 $0x4C0  }
0x47: {  	[tilespmem:s23], [sflag:$0x1] =	stream.indirect.gather [hbm4b:s3+s9], $0x20, s22, s9, $0xb8;
	[tilespmem:$0x1AD00] =	vst v63  }
0x48: {  	_ = 	snop  }
0x49: {  	[tilespmem:s25], [sflag:$0x1] =	stream.indirect.gather [hbm4b:s3+s9], $0x20, s24, s9, $0xb8;
	[tilespmem:$0x1AD00] =	vst v63  }
0x4a: {  	_ = 	snop  }
0x4b: {  	[tilespmem:s28], [sflag:$0x1] =	stream.indirect.gather [hbm4b:s3+s9], $0x20, s26, s9, $0xb8;
	[tilespmem:$0x1AD00] =	vst v63  }
0x4c: {  	_ = 	snop  }
0x4d: {  	[tilespmem:s30], [sflag:$0x1] =	stream.indirect.gather [hbm4b:s3+s9], $0x20, s29, s9, $0xb8;
	[tilespmem:$0x1AD00] =	vst v63  }
0x4e: {  	_ = 	snop  }
0x4f: {  	[tilespmem:s0], [sflag:$0x1] =	stream.indirect.gather [hbm4b:s3+s9], $0x20, s31, s9, $0xb8;
	[tilespmem:$0x1AD00] =	vst v63  }
0x50: {  	_ = 	snop  }
0x51: {  	[tilespmem:s6], [sflag:$0x1] =	stream.indirect.gather [hbm4b:s3+s9], $0x20, s1, s9, $0xb8;
	[tilespmem:$0x1AD00] =	vst v63  }
0x52: {  	_ = 	snop  }
0x53: {  	[tilespmem:s2], [sflag:$0x1] =	stream.indirect.gather [hbm4b:s3+s9], $0x20, s7, s9, $0xb8;
	[tilespmem:$0x1AD00] =	vst v63  }
0x54: {  	_ =	swait.ge [sflag:s12], $0xD000  }
0x55: {  	s20 =	simm.s32 $0x4;
	[sflag:s12] =	ssyncset.done $0x0  }
0x56: {  	s21 =	simm.s32 $0x1500;
	s22 =	sadd.s32 $0x0, s16;
	[sflag:s12] =	ssyncadd.s32 $0xFFFF3000  }
.LBB2_3:
0x57: {  	[hbm4b:s22+s13] =	stream.strided.scatter [tilespmem:s19], [sflag:$0x2], $0x800, s8, s13, $0x38;
	[tilespmem:$0x1AD00] =	vst v63  }
0x58: {  	s22 =	smov.u32 s20;
	s19 =	smov.u32 s21;
	p1 =	sne.s32 s20, $0x64  }
.Ltmp0:
0x59: {  	s20 =	sadd.s32 $0x4, s20;
	(pc) =	sbr.rel @p1 .LBB2_3-.Ltmp0, $2  }
0x5a: {  	_ =	sdelay $0x2  }
0x5b: {  	s21 =	sadd.s32 $0x800, s21;
	s22 =	sadd.s32 s22, s16  }
0x5c: {  	[hbm4b:s22+s13] =	stream.strided.scatter [tilespmem:s19], [sflag:$0x2], $0x800, s8, s13, $0x38;
	[tilespmem:$0x1AD00] =	vst v63  }
0x5d: {  	s18 =	sadd.s32 s18, s5  }
0x5e: {  	s18 =	sadd.s32 $0x40, s18  }
0x5f: {  	s18 =	sshrl.u32 s18, $0x3  }
0x60: {  	s18 =	sadd.s32 s4, s18  }
0x61: {  	[tilespmem:s14], [sflag:$0x4] =	stream.strided.gather [hbm4b:s18+s9], $0x680, s10, s9, $0x38;
	[tilespmem:$0x1AD00] =	vst v63  }
0x62: {  	_ =	swait.ge [sflag:s11], $0x680  }
0x63: {  	[sflag:s11] =	ssyncset.done $0x0  }
0x64: {  	s18 =	simm.s32 @!p0 $0x3;
	[sflag:s11] =	ssyncadd.s32 $0xFFFFF980  }
0x65: {  	_ =	swait.ge @!p0 [sflag:s18], $0xD000  }
0x66: {  	s22 =	simm.s32 $0x680;
	[sflag:s18] =	ssyncset.done @!p0 $0x0  }
0x67: {  	s19 =	simm.s32 $0x100;
	[sflag:s18] =	ssyncadd.s32 @!p0 $0xFFFF3000;
	s18 =	simm.s32 $0xDD00  }
0x68: {  	[tilespmem:s18], [sflag:$0x1] =	stream.indirect.gather [hbm4b:s3+s9], $0x20, s22, s9, $0xb8;
	[tilespmem:$0x1AD00] =	vst v63  }
.LBB2_5:
0x69: {  	p0 =	sne.s32 s19, $0x1900  }
.Ltmp1:
0x6a: {  	_ = 	snop;
	(pc) =	sbr.rel @p0 .LBB2_5-.Ltmp1, $4  }
0x6b: {  	_ = 	snop  }
0x6c: {  	s20 =	sshra.s32 s19, $0x2;
	s19 =	sadd.s32 $0x100, s19  }
0x6d: {  	s18 =	sadd.s32 $0x800, s18;
	s20 =	sadd.s32 $0x680, s20  }
0x6e: {  	[tilespmem:s18], [sflag:$0x1] =	stream.indirect.gather [hbm4b:s3+s9], $0x20, s20, s9, $0xb8;
	[tilespmem:$0x1AD00] =	vst v63  }
0x6f: {  	_ =	swait.ge [sflag:s12], $0xD000  }
0x70: {  	s18 =	simm.s32 $0xDD00;
	s19 =	simm.s32 $0x4;
	[sflag:s12] =	ssyncset.done $0x0  }
0x71: {  	s21 =	sadd.s32 $0x0, s15;
	s20 =	simm.s32 $0xE500;
	[sflag:s12] =	ssyncadd.s32 $0xFFFF3000  }
.LBB2_7:
0x72: {  	[hbm4b:s21+s13] =	stream.strided.scatter [tilespmem:s18], [sflag:$0x3], $0x800, s8, s13, $0x38;
	[tilespmem:$0x1AD00] =	vst v63  }
0x73: {  	s21 =	smov.u32 s19;
	s18 =	smov.u32 s20;
	p0 =	sne.s32 s19, $0x64  }
.Ltmp2:
0x74: {  	s19 =	sadd.s32 $0x4, s19;
	(pc) =	sbr.rel @p0 .LBB2_7-.Ltmp2, $2  }
0x75: {  	_ =	sdelay $0x2  }
0x76: {  	s20 =	sadd.s32 $0x800, s20;
	s21 =	sadd.s32 s21, s15  }
0x77: {  	s17 =	sadd.s32 $0x1, s17  }
0x78: {  	p0 =	sne.s32 s17, $0x32  }
.Ltmp3:
0x79: {  	_ = 	snop;
	(pc) =	sbr.rel @p0 .LBB2_2-.Ltmp3, $3  }
0x7a: {  	_ =	sdelay $0x1  }
0x7b: {  	[hbm4b:s21+s13] =	stream.strided.scatter [tilespmem:s18], [sflag:$0x3], $0x800, s8, s13, $0x38;
	[tilespmem:$0x1AD00] =	vst v63  }
0x7c: {  	s16 =	sadd.s32 $0x3400, s16;
	s15 =	sadd.s32 $0x3400, s15  }
0x7d: {  	s15 =	simm.s32 $0x2  }
0x7e: {  	_ =	swait.ge [sflag:s15], $0xD000  }
0x7f: {  	[sflag:s15] =	ssyncset.done $0x0  }
0x80: {  	s16 =	simm.s32 $0x3;
	[sflag:s15] =	ssyncadd.s32 $0xFFFF3000  }
0x81: {  	_ =	swait.ge [sflag:s16], $0xD000  }
0x82: {  	s17 =	rddreg [dreg:$0x6]  }
0x83: {  	s22 =	rddreg [dreg:$0x3];
	s17 =	sadd.s32 $0x1, s17  }
0x84: {  	p0 =	sne.s32 s17, s22  }
.Ltmp4:
0x85: {  	_ = 	snop;
	(pc) =	sbr.rel @p0 .LBB2_1-.Ltmp4, $3  }
0x86: {  	_ =	sdelay $0x1  }
0x87: {  	[sflag:s16] =	ssyncset.done $0x0  }
0x88: {  	[sflag:s16] =	ssyncadd.s32 $0xFFFF3000  }
0x89: {  	_ =	sfence.sel $0x180000  }
0x8a: {  	[bflag:$0x0] =	sbarrier.arrive $0xFFFF  }
0x8b: {  	_ =	strace $0x90000047  }
0x8c: {  	s0 =	stileid.u32;
	[bflag:$0x2] =	sbarrier.arrive $0xFFFF  }
0x8d: {  	p0 =	sne.s32 s0, $0x0;
	s0 =	rddreg [dreg:$0x2]  }
0x8e: {  	s0 =	sadd.s32 @!p0 $0x100000, s0  }
0x8f: {  	[sflag:s0] =	ssyncadd.tile.s32 @!p0 $0x1;
	_ =	shalt  }
.Lfunc_end2:
_tile_overlayer_lowered:
.L_overlay_start_2:
0x90: {  	(tag) =	ssettag $0x2  }
0x91: {  	s0 =	rddreg [dreg:$0x0];
	s2 =	stileid.u32  }
0x92: {  	s1 =	rddreg [dreg:$0x1];
	p0 =	sne.s32 s2, $0x0  }
0x93: {  	s3 =	rddreg [dreg:$0x2];
	[bflag:$0x3] =	sbarrier.arrive $0xFFFF;
	s2 =	simm.s32 @!p0 $0x1C04  }
0x94: {  	[timem:s3], [sflag:s2] =	dma.local @!p0 [hbm:s0], s1  }
0x95: {  	s0 =	simm.s32 @!p0 $0x4  }
0x96: {  	_ =	swait.ge @!p0 [sflag:s0], s1  }
0x97: {  	s1 =	ssub.s32 @!p0 $0x0, s1;
	[sflag:s0] =	ssyncset.done @!p0 $0x0  }
0x98: {  	[sflag:s0] =	ssyncadd.s32 @!p0 s1  }
0x99: {  	[bflag:$0x3] =	sbarrier.arrive $0xFFFF  }
0x9a: {  	_ =	shalt  }

// kernel: sparse-core-data-format-call.cloned.1.call-start
scs
called_computation_lowered:
.L_overlay_start_0:
0x0: {  	s2 =	sld [smem:$0x3FD9]  }
0x1: {  	s3 =	sld [smem:$0x3FFE];
	_ =	sdelay $0x1  }
0x2: {  	s1 =	srdreg.scid  }
0x3: {  	s0 =	sand.u32 $0x1, s1  }
0x4: {  	s18 =	sshll.u32 s0, $0xA;
	s2 =	sadd.s32 s3, s2  }
0x5: {  	s2 =	sadd.s32 s2, s18  }
0x6: {  	[smem:$0x3FC6] =	sst s2  }
0x7: {  	_ = 	snop  }
0x8: {  	s2 =	sld [smem:$0x3FD0];
	(tm) =	ssettm $0x1  }
0x9: {  	s19 =	sld [smem:$0x3FFB];
	_ =	sdelay $0x3  }
0xa: {  	_ =	strace s19  }
0xb: {  	s3 =	sld [smem:$0x3FFC];
	_ =	sdelay $0x3  }
0xc: {  	_ =	strace s3  }
0xd: {  	s3 =	sld [smem:$0x3FFD];
	_ =	sdelay $0x3  }
0xe: {  	_ =	strace s3  }
0xf: {  	_ =	strace $0x8FFFFFFF  }
0x10: {  	s20 =	sld [smem:$0x3FDB];
	_ =	sdelay $0x1  }
0x11: {  	s4 =	simm.s32 $_scs_section_size  }
0x12: {  	s5 =	simm.s32 $_size__tile_overlayer_lowered;
	s6 =	simm.s32 $_tile_overlayer_lowered  }
0x13: {  	s23 =	simm.s32 $0x1BFF;
	s22 =	sshll.u32 s6, $0x1;
	s3 =	sadd.s32 s4, s20  }
0x14: {  	s7 =	simm.s32 $0x0;
	s21 =	sshll.u32 s5, $0x1;
	s5 =	sadd.s32 s22, s3  }
0x15: {  	[timem:s7], [sflag:s23] =	dma.local [hbm:s5], s21  }
0x16: {  	_ =	swait.ge [sflag:s23], s21  }
0x17: {  	s4 =	ssub.s32 $0x0, s21;
	[sflag:s23] =	ssyncset.done $0x0  }
0x18: {  	[sflag:s23] =	ssyncadd.s32 s4;
	_ =	sdelay $0x1  }
0x19: {  	s24 =	simm.s32 $0x1B8B  }
0x1a: {  	_ =	swait.ge [sflag:s24], $0x1  }
0x1b: {  	[sflag:s24] =	ssyncset.done $0x0  }
0x1c: {  	s26 =	simm.s32 $0x1B8E;
	s25 =	sld [smem:$0x3FFE];
	[sflag:s24] =	ssyncadd.s32 $0xFFFFFFFF  }
0x1d: {  	s27 =	simm.s32 $execute0_lowered;
	[smem:$0x3FD2] =	sst s26  }
0x1e: {  	s5 =	sshll.u32 s27, $0x1;
	_ =	strace $0x80000049;
	[dreg:$0x1] =	wrdreg $0xFFFFFFFF  }
0x1f: {  	s28 =	simm.s32 $_size_execute0_lowered;
	s3 =	sadd.s32 s3, s5;
	[dreg:$0x0] =	wrdreg $0x0  }
0x20: {  	s5 =	sshll.u32 s28, $0x1;
	[dreg:$0x2] =	wrdreg s3  }
0x21: {  	[dreg:$0x3] =	wrdreg s5  }
0x22: {  	[dreg:$0x4] =	wrdreg $0xC0  }
0x23: {  	_ =	task [dreg:s7], $0x5FFFF  }
0x24: {  	[dreg:$0x1] =	wrdreg $0xFFFFFFFF  }
0x25: {  	[dreg:$0x0] =	wrdreg $0x60  }
0x26: {  	[dreg:$0x2] =	wrdreg s25  }
0x27: {  	[dreg:$0x3] =	wrdreg s2  }
0x28: {  	[dreg:$0x4] =	wrdreg $0x9  }
0x29: {  	_ =	task.clear_ibuf [dreg:s7], $0x5FFFF;
	_ =	strace $0x90000049  }
0x2a: {  	s29 =	simm.s32 $0x9;
	_ =	strace $0x8000004B  }
0x2b: {  	_ =	swait.ge [sflag:s29], $0x1  }
0x2c: {  	[sflag:s29] =	ssyncadd.s32 $0xFFFFFFFF  }
0x2d: {  	_ =	strace $0x9000004B  }
0x2e: {  	_ =	sfence  }
0x2f: {  	s30 =	sld [smem:$0x0];
	_ =	sdelay $0x2  }
0x30: {  	s31 =	sshll.u32 s1, $0xD;
	s1 =	sshrl.u32 s1, $0x2  }
0x31: {  	s3 =	sand.u32 $0x4000, s31;
	s1 =	sadd.s32 s1, s30  }
0x32: {  	s0 =	sor.u32 s3, s0;
	s1 =	sshll.u32 s1, $0x11  }
0x33: {  	s0 =	sor.u32 s1, s0  }
0x34: {  	s0 =	sadd.s32 $0x8F2B, s0  }
0x35: {  	[sflag:s0] =	ssyncadd.remote.s32 $0x1  }
0x36: {  	_ =	sfence.sel $0xFFFF  }
0x37: {  	[dreg:$0x0] =	wrdreg $0xFFFFFFFF;
	(pc) =	sbr.abs _section_cstart, $3  }
0x38: {  	[dreg:$0x1] =	wrdreg $0xFFFFFFFF  }
0x39: {  	_ =	task.clear_ibuf [dreg:s7], $0x2FFFF;
	_ =	strace $0x9FFFFFFF  }
0x3a: {  	(tm) =	ssettm $0x7FFFFFFF  }
0x3b: {  	_ =	shalt  }
tec
execute0_lowered:
.L_overlay_start_1:
0x0: {  	(tag) =	ssettag $0x1  }
0x1: {  	s4 =	rddreg [dreg:$0x0]  }
0x2: {  	s0 =	stileid.u32;
	s2 =	rddreg [dreg:$0x1]  }
0x3: {  	s7 =	srdreg.scid;
	s8 =	simm.s32 $0x2;
	s17 =	simm.s32 $0x0  }
0x4: {  	s9 =	simm.s32 $0x2000;
	s19 =	simm.s32 $0x0;
	s18 =	simm.s32 $0x0  }
0x5: {  	s10 =	simm.s32 $0x0;
	s11 =	simm.s32 $0x0;
	s1 =	sshll.u32 s0, $0x7  }
0x6: {  	s12 =	simm.s32 $0x0;
	s13 =	simm.s32 $0x0;
	s3 =	sand.u32 $0x380, s1  }
0x7: {  	s16 =	simm.s32 $0x0;
	s7 =	sshll.u32 s7, $0x4;
	s5 =	ssub.s32 $0x400, s3  }
0x8: {  	s4 =	sadd.s32 $0xC00, s4;
	s1 =	rddreg [dreg:$0x2];
	s6 =	sand.u32 $0x380, s5  }
0x9: {  	s7 =	sand.u32 $0x10, s7;
	p0 =	sne.s32 s6, $0x0;
	s6 =	simm.s32 $0x1  }
.Ltmp0:
0xa: {  	s5 =	sshrl.u32 s5, $0xA;
	s6 =	simm.s32 @!p0 $0x0;
	(pc) =	sbr.rel .LBB1_1-.Ltmp0, $4  }
0xb: {  	_ =	strace $0x8000004A;
	s7 =	sor.u32 s0, s7;
	s6 =	sadd.s32 s6, s5  }
0xc: {  	s7 =	sshrl.u32 s7, $0x3;
	s5 =	simm.s32 $0x1;
	s6 =	smul.u32 $0x15E, s6  }
0xd: {  	s15 =	smov.u32 s3;
	s14 =	smov.u32 s7;
	[sflag:s5] =	ssyncpa.u1 $0x0  }
0xe: {  	p0 =	por $0x0, $0x0;
	[sflag:s8] =	ssyncpa.u1 $0x0;
	s8 =	sor.u32 $0x1, s6  }
.LBB1_4:
0xf: {  	s25 =	sshll.u32 s10, $0xA;
	s24 =	sshra.s32 s24, $0x2;
	s26 =	sshll.u32 s12, $0x3  }
0x10: {  	p1 =	sgt.s32 s11, $0xC7;
	s27 =	smov.u32 s11;
	s28 =	sshra.s32 s11, $0x1F  }
0x11: {  	p2 =	sgt.s32 s12, $0x380;
	s31 =	sshra.s32 s12, $0x1F;
	s25 =	sand.u32 $0xFFFFE000, s25  }
0x12: {  	s26 =	sand.u32 $0xFFFFFC00, s26;
	s27 =	simm.s32 @!p1 $0xC7;
	s28 =	sand.u32 s28, s11  }
0x13: {  	[tilespmem:s22+$0x2040 ss:$0x81] =	vst.msk $0xffff, v4;
	s23 =	sadd.s32 s24, s23;
	s29 =	sadd.s32 s26, s25;
	s25 =	ssub.s32 s27, s28  }
0x14: {  	[tilespmem:s22+$0x2850 ss:$0x81] =	vst.msk $0xffff, v3;
	s27 =	smov.u32 s12;
	s28 =	smov.u32 s10;
	s26 =	sand.u32 s31, s12  }
0x15: {  	[tilespmem:s22+$0x3060 ss:$0x81] =	vst.msk $0xffff, v2;
	s24 =	sshrl.u32 s29, $0xA;
	s30 =	sadd.s32 $0xFFFFFF39, s25;
	s27 =	simm.s32 @!p2 $0x380  }
0x16: {  	v5 =	vld [tilespmem:s21+$0xFFFFFFD0];
	[tilespmem:s22+$0x0 ss:$0x81] =	vst.msk $0xffff, v1;
	p2 =	sgt.s32 s10, $0x2C0;
	s29 =	sshra.s32 s10, $0x1F;
	s22 =	ssub.s32 $0xC8, s25  }
0x17: {  	v58 =	vld [tilespmem:s21+$0xFFFFFFE0];
	p1 =	sgt.s32 s30, $0x0;
	s28 =	simm.s32 @!p2 $0x2C0;
	s29 =	sand.u32 s29, s10  }
0x18: {  	v59 =	vld [tilespmem:s21+$0xFFFFFFF0];
	s26 =	ssub.s32 s27, s26;
	s27 =	smulhi.u32 $0x4EC4ED, s24;
	s28 =	ssub.s32 s28, s29  }
0x19: {  	v60 =	vld [tilespmem:s21+$0x0];
	s30 =	sadd.s32 $0xFFFFFC80, s26;
	s25 =	ssub.s32 $0x400, s26;
	s22 =	simm.s32 @p1 $0x0  }
0x1a: {  	v61 =	vld [tilespmem:s21+$0x10];
	[tilespmem:s23+$0x3870 ss:$0x81] =	vst.msk $0xffff, v0;
	s29 =	sand.u32 $0x78, s12;
	p2 =	sgt.s32 s30, $0x7F;
	s31 =	sadd.s32 $0xFFFFFD40, s28  }
0x1b: {  	v62 =	vld [tilespmem:s21+$0x20];
	[tilespmem:s23+$0x810 ss:$0x81] =	vst.msk $0xffff, v5;
	s27 =	smul.u32 $0x340, s27;
	s30 =	sshll.u32 s10, $0x7;
	s28 =	ssub.s32 $0x340, s28  }
0x1c: {  	v63 =	vld [tilespmem:s21+$0xFFFFFFC0];
	[tilespmem:s23+$0x1020 ss:$0x81] =	vst.msk $0xffff, v58;
	s25 =	simm.s32 @p2 $0x0;
	p1 =	sgt.s32 s31, $0x7F;
	s31 =	smul.u32 $0x1A000, s11  }
0x1d: {  	[tilespmem:s23+$0x1830 ss:$0x81] =	vst.msk $0xffff, v59;
	s21 =	sand.u32 $0x380, s30;
	s22 =	smul.u32 s25, s22;
	s28 =	simm.s32 @p1 $0x0  }
0x1e: {  	[tilespmem:s23+$0x2040 ss:$0x81] =	vst.msk $0xffff, v60;
	s21 =	sor.u32 s29, s21;
	s24 =	ssub.s32 s24, s27;
	s29 =	sand.u32 $0x7, s12  }
0x1f: {  	[tilespmem:s23+$0x2850 ss:$0x81] =	vst.msk $0xffff, v61;
	s21 =	sshrl.u32 s21, $0x3;
	s25 =	sadd.s32 s2, s31;
	s22 =	smul.u32 s28, s22  }
0x20: {  	[tilespmem:s23+$0x3060 ss:$0x81] =	vst.msk $0xffff, v62;
	s24 =	sshll.u32 s24, $0x7;
	s30 =	sshll.u32 s29, $0x12;
	s21 =	sadd.s32 s21, s25  }
0x21: {  	[tilespmem:s23+$0x0 ss:$0x81] =	vst.msk $0xffff, v63;
	s31 =	sor.u32 $0x400, s30;
	s21 =	sadd.s32 s24, s21;
	s22 =	sand.u32 $0x3FFFFFFF, s22  }
0x22: {  	[hbm4b:s21+s31] =	stream.strided.scatter [tilespmem:s20], [sflag:$0x2], s22, s9, s31, $0x20;
	[tilespmem:$0x10100] =	vst v63  }
.LBB1_5:
0x23: {  	p1 =	slt.u32 s16, $0x2  }
0x24: {  	p2 =	sgt.s32 @!p1 s19, $0xC7  }
0x25: {  	s20 =	smov.u32 s19;
	s21 =	sshra.s32 @!p1 s19, $0x1F;
	p2 =	por !p2, p1  }
0x26: {  	s19 =	sand.u32 @!p1 s21, s19;
	s20 =	simm.s32 @p2 $0xC7  }
0x27: {  	p3 =	sgt.s32 @!p1 s18, $0x380;
	s19 =	ssub.s32 @!p1 s20, s19  }
0x28: {  	p3 =	por !p3, p1;
	s21 =	sshra.s32 @!p1 s18, $0x1F;
	s20 =	sadd.s32 @!p1 $0xFFFFFF39, s19  }
0x29: {  	s19 =	ssub.s32 @!p1 $0xC8, s19;
	p2 =	sgt.s32 @!p1 s20, $0x0;
	s20 =	smov.u32 s18  }
0x2a: {  	s18 =	sand.u32 @!p1 s21, s18;
	s20 =	simm.s32 @p3 $0x380;
	p3 =	sgt.s32 @!p1 s17, $0x2C0  }
0x2b: {  	s21 =	smov.u32 s17;
	p2 =	por !p2, p1;
	p3 =	por !p3, p1  }
0x2c: {  	s18 =	ssub.s32 @!p1 s20, s18;
	s20 =	sshra.s32 @!p1 s17, $0x1F;
	s19 =	simm.s32 @!p2 $0x0  }
0x2d: {  	s21 =	simm.s32 @p3 $0x2C0;
	s17 =	sand.u32 @!p1 s20, s17;
	s20 =	sadd.s32 @!p1 $0xFFFFFC80, s18  }
0x2e: {  	s18 =	ssub.s32 @!p1 $0x400, s18;
	s17 =	ssub.s32 @!p1 s21, s17;
	p2 =	sgt.s32 @!p1 s20, $0x7F  }
0x2f: {  	s21 =	smov.u32 s14;
	s20 =	sadd.s32 @!p1 $0xFFFFFD40, s17;
	p2 =	por !p2, p1  }
0x30: {  	s17 =	ssub.s32 @!p1 $0x340, s17;
	p3 =	sgt.s32 @!p1 s20, $0x7F;
	s18 =	simm.s32 @!p2 $0x0  }
0x31: {  	s20 =	sadd.s32 $0x80, s13;
	p2 =	por !p3, p1;
	s18 =	smul.u32 @!p1 s18, s19  }
0x32: {  	s19 =	sadd.s32 $0x4, s14;
	s17 =	simm.s32 @!p2 $0x0;
	p2 =	sgt.s32 s20, $0x33F  }
0x33: {  	s22 =	smov.u32 s15;
	s21 =	smov.u32 @p2 s19  }
0x34: {  	s17 =	smul.u32 @!p1 s17, s18;
	s18 =	sadd.s32 $0x400, s15;
	p3 =	sgt.s32 s21, $0xC7  }
0x35: {  	p0 =	por !p0, !p0;
	s23 =	simm.s32 @!p1 $0x2;
	s22 =	smov.u32 @p3 s18  }
0x36: {  	s20 =	simm.s32 @p2 $0x0;
	s19 =	smov.u32 s11;
	p2 =	sgt.s32 s22, $0x3FF  }
0x37: {  	s11 =	smov.u32 s14;
	s22 =	smov.u32 @p2 s3;
	p2 =	sne.s32 s16, s8  }
.Ltmp1:
0x38: {  	s17 =	sand.u32 @!p1 $0x3FFFFFFF, s17;
	s21 =	smov.u32 @p3 s7;
	(pc) =	sbr.rel @!p2 .LBB1_6-.Ltmp1, $4  }
0x39: {  	s18 =	smov.u32 s12;
	s12 =	smov.u32 s15;
	_ =	swait.ge @!p1 [sflag:s23], s17  }
0x3a: {  	s24 =	ssub.s32 @!p1 $0x0, s17;
	s17 =	smov.u32 s10;
	s10 =	smov.u32 s13  }
0x3b: {  	s13 =	smov.u32 s20;
	s14 =	smov.u32 s21;
	[sflag:s23] =	ssyncset.done @!p1 $0x0  }
0x3c: {  	s16 =	sadd.s32 $0x1, s16;
	[sflag:s23] =	ssyncadd.s32 @!p1 s24;
	s15 =	smov.u32 s22  }
.LBB1_1:
0x3d: {  	p1 =	sge.u32 s16, s6  }
0x3e: {  	s20 =	sshrl.u32 @!p1 s14, $0x3  }
0x3f: {  	s21 =	sshll.u32 @!p1 s13, $0x3;
	s20 =	smul.u32 @!p1 $0x1C00, s20  }
0x40: {  	s22 =	sshll.u32 @!p1 s14, $0x7;
	s21 =	sand.u32 @!p1 $0xFFFFFC00, s21  }
0x41: {  	s20 =	sadd.s32 @!p1 s20, s21;
	s21 =	sand.u32 @!p1 $0x380, s22  }
0x42: {  	s20 =	sor.u32 @!p1 s21, s20  }
0x43: {  	s21 =	sshrl.u32 @!p1 s20, $0x7  }
0x44: {  	s21 =	smulhi.u32 @!p1 $0x24924925, s21;
	_ =	sdelay $0x1  }
0x45: {  	s22 =	smulhi.u32 @!p1 $0x147AE15, s21;
	_ =	sdelay $0x1  }
0x46: {  	s23 =	sand.u32 @!p1 $0x7F, s13;
	s22 =	smul.u32 @!p1 $0xC8, s22  }
0x47: {  	s31 =	sadd.s32 $0xFFFFFFFF, s16;
	s20 =	sor.u32 @!p1 s23, s20;
	s23 =	smul.u32 @!p1 $0x380, s21  }
0x48: {  	s24 =	sxor.u32 @!p1 $0xFFFFFFFF, s16;
	s21 =	ssub.s32 @!p1 s21, s22;
	s22 =	smul.u32 @!p1 $0x5780, s15  }
0x49: {  	s24 =	sshll.u32 @!p1 s24, $0xE;
	s20 =	ssub.s32 @!p1 s20, s23;
	s21 =	smul.u32 @!p1 $0x70, s21  }
0x4a: {  	s23 =	sand.u32 @!p1 $0x4000, s24;
	s24 =	sand.u32 @!p1 $0x7, s20;
	s22 =	sadd.s32 @!p1 s4, s22  }
0x4b: {  	s20 =	sshrl.u32 @!p1 s20, $0x3;
	s21 =	sadd.s32 @!p1 s21, s22;
	s22 =	sshll.u32 @!p1 s24, $0x12  }
0x4c: {  	s20 =	sadd.s32 @!p1 s20, s21;
	s21 =	sor.u32 @!p1 $0x80, s22;
	s22 =	simm.s32 @!p1 $0x2BC00  }
0x4d: {  	[tilespmem:s23], [sflag:$0x1] =	stream.strided.gather @!p1 [hbm4b:s20+s21], $0x4000, s22, s21, $0x38;
	[tilespmem:$0x10100] =	vst v63  }
0x4e: {  	p1 =	sge.u32 s31, s6  }
.Ltmp2:
0x4f: {  	_ = 	snop;
	(pc) =	sbr.rel @p1 .LBB1_5-.Ltmp2, $1  }
0x50: {  	_ =	sdelay $0x3  }
0x51: {  	s20 =	simm.s32 $0x1  }
0x52: {  	_ =	swait.ge [sflag:s5], $0x4000;
	s20 =	simm.s32 @!p0 $0x0  }
0x53: {  	[sflag:s5] =	ssyncset.done $0x0;
	s21 =	sshll.u32 s20, $0xE  }
0x54: {  	[sflag:s5] =	ssyncadd.s32 $0xFFFFC000;
	s21 =	sor.u32 $0x40, s21  }
0x55: {  	s20 =	smul.u32 $0x10200, s20;
	v0 =	vld [tilespmem:s21+$0x30]  }
0x56: {  	v1 =	vld [tilespmem:s21+$0xFFFFFFD0]  }
0x57: {  	s20 =	sshrl.u32 s20, $0x2;
	v5 =	vld [tilespmem:s21+$0xFFFFFFE0]  }
0x58: {  	v6 =	vld [tilespmem:s21+$0xFFFFFFF0];
	s23 =	sor.u32 $0x8000, s20  }
0x59: {  	s31 =	sand.u32 $0x1, s16;
	v4 =	vld [tilespmem:s21+$0x0];
	s22 =	sadd.s32 $0x0, s23  }
0x5a: {  	v3 =	vld [tilespmem:s21+$0x10];
	s20 =	smul.u32 $0x10200, s31;
	[tilespmem:s22+$0x3870 ss:$0x81] =	vst.msk $0xffff, v0  }
0x5b: {  	v2 =	vld [tilespmem:s21+$0x20];
	[tilespmem:s22+$0x810 ss:$0x81] =	vst.msk $0xffff, v1  }
0x5c: {  	s20 =	sshrl.u32 s20, $0x2;
	v1 =	vld [tilespmem:s21+$0xFFFFFFC0];
	[tilespmem:s22+$0x1020 ss:$0x81] =	vst.msk $0xffff, v5;
	s21 =	sadd.s32 $0x80, s21  }
0x5d: {  	s24 =	simm.s32 $0x4;
	s25 =	simm.s32 $0x8;
	s20 =	sor.u32 $0x8000, s20;
	[tilespmem:s22+$0x1830 ss:$0x81] =	vst.msk $0xffff, v6;
	v0 =	vld [tilespmem:s21+$0x30]  }
.LBB1_3:
0x5e: {  	p1 =	sne.s32 s25, $0x1FC;
	v5 =	vld [tilespmem:s21+$0xFFFFFFD0];
	[tilespmem:s22+$0x2040 ss:$0x81] =	vst.msk $0xffff, v4  }
0x5f: {  	v6 =	vld [tilespmem:s21+$0xFFFFFFE0];
	[tilespmem:s22+$0x2850 ss:$0x81] =	vst.msk $0xffff, v3  }
0x60: {  	s26 =	sshra.s32 s24, $0x2;
	s24 =	smov.u32 s25;
	v7 =	vld [tilespmem:s21+$0xFFFFFFF0];
	[tilespmem:s22+$0x3060 ss:$0x81] =	vst.msk $0xffff, v2  }
.Ltmp3:
0x61: {  	v4 =	vld [tilespmem:s21+$0x0];
	[tilespmem:s22+$0x0 ss:$0x81] =	vst.msk $0xffff, v1;
	s22 =	sadd.s32 s26, s23;
	(pc) =	sbr.rel @p1 .LBB1_3-.Ltmp3, $4  }
0x62: {  	v3 =	vld [tilespmem:s21+$0x10];
	[tilespmem:s22+$0x3870 ss:$0x81] =	vst.msk $0xffff, v0  }
0x63: {  	[tilespmem:s22+$0x810 ss:$0x81] =	vst.msk $0xffff, v5;
	v2 =	vld [tilespmem:s21+$0x20]  }
0x64: {  	v1 =	vld [tilespmem:s21+$0xFFFFFFC0];
	[tilespmem:s22+$0x1020 ss:$0x81] =	vst.msk $0xffff, v6;
	s21 =	sadd.s32 $0x80, s21  }
0x65: {  	s25 =	sadd.s32 $0x4, s25;
	v0 =	vld [tilespmem:s21+$0x30];
	[tilespmem:s22+$0x1830 ss:$0x81] =	vst.msk $0xffff, v7  }
.Ltmp4:
0x66: {  	_ = 	snop;
	(pc) =	sbr.rel .LBB1_4-.Ltmp4, $1  }
0x67: {  	_ =	sdelay $0x3  }
.LBB1_6:
0x68: {  	_ =	sfence.sel $0x180000  }
0x69: {  	s2 =	simm.s32 $0x1;
	[bflag:$0x0] =	sbarrier.arrive $0xFFFF  }
0x6a: {  	s31 =	simm.s32 $0x2;
	[sflag:s2] =	ssyncpa.u1 $0x1  }
0x6b: {  	[sflag:s31] =	ssyncpa.u1 $0x1  }
0x6c: {  	p0 =	sne.s32 s0, $0x0;
	_ =	strace $0x9000004A  }
0x6d: {  	s0 =	sadd.s32 @!p0 $0x100000, s1;
	[bflag:$0x2] =	sbarrier.arrive $0xFFFF  }
0x6e: {  	[sflag:s0] =	ssyncadd.tile.s32 @!p0 $0x1;
	_ =	shalt  }
.Lfunc_end1:
_tile_overlayer_lowered:
.L_overlay_start_2:
0x6f: {  	(tag) =	ssettag $0x2  }
0x70: {  	s0 =	rddreg [dreg:$0x0];
	s2 =	stileid.u32  }
0x71: {  	s1 =	rddreg [dreg:$0x1];
	p0 =	sne.s32 s2, $0x0  }
0x72: {  	s3 =	rddreg [dreg:$0x2];
	[bflag:$0x3] =	sbarrier.arrive $0xFFFF;
	s2 =	simm.s32 @!p0 $0x1C01  }
0x73: {  	[timem:s3], [sflag:s2] =	dma.local @!p0 [hbm:s0], s1  }
0x74: {  	s0 =	simm.s32 @!p0 $0x1  }
0x75: {  	_ =	swait.ge @!p0 [sflag:s0], s1  }
0x76: {  	s1 =	ssub.s32 @!p0 $0x0, s1;
	[sflag:s0] =	ssyncset.done @!p0 $0x0  }
0x77: {  	[sflag:s0] =	ssyncadd.s32 @!p0 s1  }
0x78: {  	[bflag:$0x3] =	sbarrier.arrive $0xFFFF  }
0x79: {  	_ =	shalt  }

</sc_bundles>
